<compile_context>
chip_gen: v7x
topology: tpu7x:2x2x1
jax: 0.10.2.dev20260603
libtpu: 0.0.44.dev20260713+nightly
codegen_flags: <defaults>
</compile_context>

<pallas_src>
import functools

import jax
import jax.numpy as jnp
from jax import lax
from jax.experimental import pallas as pl
from jax.experimental.pallas import tpu as pltpu
from jax.experimental.pallas import tpu_sc as plsc

N = 10000
D = 128
HD = D // 2
E = 320000
NC = 2
NS = 16
NW = NC * NS
EPW = E // NW
EPAD = 10240
NROW = EPAD // 128
EPS = E // NS
NROW2 = 2 * NROW
NPAD = 10240
CHUNK = 128
RPS = NPAD // NS



def _deg_body(dst_hbm, ones_hbm, zeros_hbm, out_hbm, dst_v, ones_v, deg_sp):
    cid = lax.axis_index("c")
    sid = lax.axis_index("s")
    wid = sid * NC + cid
    pltpu.sync_copy(dst_hbm.at[wid], dst_v)
    pltpu.sync_copy(ones_hbm, ones_v)
    pltpu.sync_copy(zeros_hbm, deg_sp.at[pl.ds(sid * RPS, RPS)])
    plsc.subcore_barrier()

    @pl.loop(0, NROW)
    def _scatter_ones(j):
        pltpu.sync_copy(ones_v, deg_sp.at[dst_v.at[j]], add=True)

    plsc.subcore_barrier()
    pltpu.sync_copy(
        deg_sp.at[pl.ds(sid * RPS, RPS)],
        out_hbm.at[cid, pl.ds(sid * RPS, RPS)],
    )


def _prop_body(g_hbm, src_hbm, dst_hbm, zeros_hbm, out_hbm,
               src_v, dst_v, buf, acc_sp, *sems):
    cid = lax.axis_index("c")
    sid = lax.axis_index("s")
    gsems = sems[:4]
    ssems = sems[4:]

    pltpu.sync_copy(src_hbm.at[cid, sid], src_v)
    pltpu.sync_copy(dst_hbm.at[sid], dst_v)
    pltpu.sync_copy(zeros_hbm, acc_sp.at[pl.ds(sid * RPS, RPS)])
    plsc.subcore_barrier()

    for b in range(2):
        pltpu.async_copy(g_hbm.at[src_v.at[b]], buf.at[b], gsems[b])

    @pl.loop(0, NROW2 // 4)
    def _edge_chunks(j):
        for b in range(4):
            c = 4 * j + b
            b2 = (b + 2) % 4
            pltpu.make_async_copy(
                g_hbm.at[src_v.at[c]], buf.at[b], gsems[b]).wait()
            pltpu.async_copy(
                buf.at[b], acc_sp.at[dst_v.at[c]], ssems[b], add=True)

            @pl.when(c >= 2)
            def _():
                pltpu.make_async_copy(
                    buf.at[b2], acc_sp.at[dst_v.at[c]], ssems[b2]).wait()

            @pl.when(c < NROW2 - 2)
            def _():
                pltpu.async_copy(
                    g_hbm.at[src_v.at[c + 2]], buf.at[b2], gsems[b2])

    for b in (2, 3):
        pltpu.make_async_copy(
            buf.at[b], acc_sp.at[dst_v.at[0]], ssems[b]).wait()

    plsc.subcore_barrier()
    pltpu.sync_copy(
        acc_sp.at[pl.ds(sid * RPS, RPS)],
        out_hbm.at[cid, pl.ds(sid * RPS, RPS)],
    )


@functools.cache
def _sc_kernels():
    mesh = plsc.VectorSubcoreMesh(
        core_axis_name="c", subcore_axis_name="s",
        num_cores=NC, num_subcores=NS)
    params = pltpu.CompilerParams(use_tc_tiling_on_sc=False)
    deg_kernel = pl.kernel(
        _deg_body,
        out_type=jax.ShapeDtypeStruct((NC, NPAD, 16), jnp.float32),
        mesh=mesh,
        compiler_params=params,
        scratch_types=[
            pltpu.VMEM((NROW, 128), jnp.int32),
            pltpu.VMEM((128, 16), jnp.float32),
            pltpu.VMEM_SHARED((NPAD, 16), jnp.float32),
        ],
    )
    prop_kernel = pl.kernel(
        _prop_body,
        out_type=jax.ShapeDtypeStruct((NC, NPAD, HD), jnp.float32),
        mesh=mesh,
        compiler_params=params,
        scratch_types=[
            pltpu.VMEM((NROW2, 128), jnp.int32),
            pltpu.VMEM((NROW2, 128), jnp.int32),
            pltpu.VMEM((4, CHUNK, HD), jnp.float32),
            pltpu.VMEM_SHARED((NPAD, HD), jnp.float32),
        ] + [pltpu.SemaphoreType.DMA] * 8,
    )
    return deg_kernel, prop_kernel



BR = 1000
GRID = N // BR


def _dis_block(degp):
    deg = degp[0, :, 0:1] + degp[1, :, 0:1] + 1.0
    return lax.rsqrt(deg)


def _cat(h):
    return jnp.concatenate([h[0], h[1]], axis=1)


def _mm1_body(x_ref, w_ref, degp_ref, g_ref):
    dis = _dis_block(degp_ref[...])
    g = dis * jnp.dot(x_ref[...], w_ref[...],
                      preferred_element_type=jnp.float32)
    g_ref[0] = g[:, :HD]
    g_ref[1] = g[:, HD:]


def _mm2_body(sp_ref, g1_ref, degp_ref, w_ref, b1_ref, g2_ref):
    dis = _dis_block(degp_ref[...])
    pre = dis * (_cat(sp_ref[...]) + _cat(g1_ref[...])) + b1_ref[...]
    x2 = jnp.maximum(pre, 0.0)
    g2 = dis * jnp.dot(x2, w_ref[...], preferred_element_type=jnp.float32)
    g2_ref[0] = g2[:, :HD]
    g2_ref[1] = g2[:, HD:]


def _fin_body(sp_ref, g2_ref, degp_ref, b2_ref, out_ref):
    dis = _dis_block(degp_ref[...])
    out_ref[...] = dis * (_cat(sp_ref[...]) + _cat(g2_ref[...])) + b2_ref[...]


_degp_spec = pl.BlockSpec((NC, BR, 16), lambda i: (0, i, 0))
_gh_spec = pl.BlockSpec((2, BR, HD), lambda i: (0, i, 0))
_row_spec = pl.BlockSpec((BR, D), lambda i: (i, 0))
_w_spec = pl.BlockSpec((D, D), lambda i: (0, 0))
_b_spec = pl.BlockSpec((1, D), lambda i: (0, 0))
_gh_sds = jax.ShapeDtypeStruct((2, N, HD), jnp.float32)

_mm1 = pl.pallas_call(
    _mm1_body,
    grid=(GRID,),
    in_specs=[_row_spec, _w_spec, _degp_spec],
    out_specs=_gh_spec,
    out_shape=_gh_sds,
)

_mm2 = pl.pallas_call(
    _mm2_body,
    grid=(GRID,),
    in_specs=[_gh_spec, _gh_spec, _degp_spec, _w_spec, _b_spec],
    out_specs=_gh_spec,
    out_shape=_gh_sds,
)

_fin = pl.pallas_call(
    _fin_body,
    grid=(GRID,),
    in_specs=[_gh_spec, _gh_spec, _degp_spec, _b_spec],
    out_specs=_row_spec,
    out_shape=jax.ShapeDtypeStruct((N, D), jnp.float32),
)


def kernel(x, edge_index, W1, b1, W2, b2):
    e = edge_index.astype(jnp.int32)
    pad_src = jnp.zeros((NS, NROW2 * 128 - EPS), jnp.int32)
    pad_dst = jnp.full((NS, NROW2 * 128 - EPS), N, jnp.int32)
    src1 = jnp.concatenate(
        [e[0].reshape(NS, EPS), pad_src], axis=1).reshape(NS, NROW2, 128)
    srcs = jnp.stack([src1, src1 + N])
    dst = jnp.concatenate(
        [e[1].reshape(NS, EPS), pad_dst], axis=1).reshape(NS, NROW2, 128)
    dstw = dst.reshape(NW, NROW, 128)
    ones16 = jnp.ones((128, 16), jnp.float32)
    zeros16 = jnp.zeros((RPS, 16), jnp.float32)
    zerosH = jnp.zeros((RPS, HD), jnp.float32)

    deg_kernel, prop_kernel = _sc_kernels()
    degp = deg_kernel(dstw, ones16, zeros16)
    g1 = _mm1(x, W1, degp)
    s1 = prop_kernel(g1.reshape(2 * N, HD), srcs, dst, zerosH)
    g2 = _mm2(s1, g1, degp, W2, b1.reshape(1, D))
    s2 = prop_kernel(g2.reshape(2 * N, HD), srcs, dst, zerosH)
    return _fin(s2, g2, degp, b2.reshape(1, D))

# --- scband reference (transcript-rebuilt; emitter-appended) ---
"""Pipeline reference for scband-slot-gcn-32916629357419 (READ-ONLY COPY).

The authoritative reference and input builder live on the scoring server;
editing this copy changes nothing except your own understanding.
"""

import jax, jax.numpy as jnp
import numpy as np

N_NODES = 10000
N_EDGES = 320000
D_IN = 128
D_HID = 128
D_OUT = 128


def setup_inputs(seed: int = 0) -> dict:
    key = jax.random.key(seed)
    k1, k2, k3, k4, k5, k6 = jax.random.split(key, 6)
    x = jax.random.normal(k1, (N_NODES, D_IN), dtype=jnp.float32)
    edge_index = jax.random.randint(k2, (2, N_EDGES), 0, N_NODES, dtype=jnp.int64)
    # GCNConv layer 1 params (glorot-ish init)
    W1 = jax.random.normal(k3, (D_IN, D_HID), dtype=jnp.float32) * (1.0 / np.sqrt(D_IN))
    b1 = jnp.zeros((D_HID,), dtype=jnp.float32)
    # GCNConv layer 2 params
    W2 = jax.random.normal(k4, (D_HID, D_OUT), dtype=jnp.float32) * (1.0 / np.sqrt(D_HID))
    b2 = jnp.zeros((D_OUT,), dtype=jnp.float32)
    return {"x": x, "edge_index": edge_index, "W1": W1, "b1": b1, "W2": W2, "b2": b2}


def _gcn_conv(x, edge_index, W, b):
    n = x.shape[0]
    # add self-loops (PyG GCNConv default add_self_loops=True)
    loop = jnp.arange(n, dtype=edge_index.dtype)
    src = jnp.concatenate([edge_index[0], loop])
    dst = jnp.concatenate([edge_index[1], loop])
    # symmetric normalization: deg computed on dst with unit edge weights
    deg = jnp.zeros((n,), dtype=x.dtype).at[dst].add(1.0)
    deg_inv_sqrt = jnp.where(deg > 0, 1.0 / jnp.sqrt(deg), 0.0)
    norm = deg_inv_sqrt[src] * deg_inv_sqrt[dst]
    # linear transform then propagate (gather -> scale -> scatter-add)
    h = x @ W
    msg = h[src] * norm[:, None]
    out = jnp.zeros((n, W.shape[1]), dtype=x.dtype).at[dst].add(msg)
    return out + b


def reference(x, edge_index, W1, b1, W2, b2):
    h = _gcn_conv(x, edge_index, W1, b1)
    h = jax.nn.relu(h)
    out = _gcn_conv(h, edge_index, W2, b2)
    return out

if __name__ == "__main__":
    import jax
    _d = setup_inputs()
    print(jax.jit(kernel)(*tuple(_d.values())))

</pallas_src>

<mosaic_0001>
#map = affine_map<(d0, d1) -> (0, 0)>
#map1 = affine_map<(d0, d1) -> (0, 0, 0, 0)>
#map2 = affine_map<(d0, d1) -> (0, 0, 0)>
module attributes {stable_mosaic.version = 14 : i64} {
  func.func @_prop_body(%arg0: i32, %arg1: i32, %arg2: memref<20000x64xf32, #tpu.memory_space<hbm>>, %arg3: memref<2x16x160x128xi32, #tpu.memory_space<hbm>>, %arg4: memref<16x160x128xi32, #tpu.memory_space<hbm>>, %arg5: memref<640x64xf32, #tpu.memory_space<hbm>>, %arg6: memref<2x10240x64xf32, #tpu.memory_space<hbm>>, %arg7: memref<160x128xi32, #tpu.memory_space<vmem>>, %arg8: memref<160x128xi32, #tpu.memory_space<vmem>>, %arg9: memref<4x128x64xf32, #tpu.memory_space<vmem>>, %arg10: memref<10240x64xf32, #tpu.memory_space<vmem_shared>>, %arg11: memref<!tpu.dma_semaphore, #tpu.memory_space<semaphore_mem>>, %arg12: memref<!tpu.dma_semaphore, #tpu.memory_space<semaphore_mem>>, %arg13: memref<!tpu.dma_semaphore, #tpu.memory_space<semaphore_mem>>, %arg14: memref<!tpu.dma_semaphore, #tpu.memory_space<semaphore_mem>>, %arg15: memref<!tpu.dma_semaphore, #tpu.memory_space<semaphore_mem>>, %arg16: memref<!tpu.dma_semaphore, #tpu.memory_space<semaphore_mem>>, %arg17: memref<!tpu.dma_semaphore, #tpu.memory_space<semaphore_mem>>, %arg18: memref<!tpu.dma_semaphore, #tpu.memory_space<semaphore_mem>>) attributes {dimension_semantics = [#tpu.dimension_semantics<core_parallel>, #tpu.dimension_semantics<subcore_parallel>], iteration_bounds = array<i64: 2, 16>, scalar_prefetch = 0 : i64, scratch_operands = 12 : i64, tpu.core_type = #tpu.core_type<sc_vector_subcore>, window_params = [{transform_indices = #map}, {transform_indices = #map1}, {transform_indices = #map2}, {transform_indices = #map}, {transform_indices = #map2}]} {
    "tpu.region"() ({
      %run_scoped3A = tpu.sem_alloc : memref<!tpu.dma_semaphore, #tpu.memory_space<semaphore_mem>>
      %dma_start3A_56 = arith.constant 0 : i32
      %dma_start3A_57 = arith.constant 0 : i32
      %dma_start3A_58 = tpu.memref_slice %arg3[%arg0, %arg1, %dma_start3A_56, %dma_start3A_57] : memref<2x16x160x128xi32, #tpu.memory_space<hbm>> -> memref<1x1x160x128xi32, #tpu.memory_space<hbm>>
      %dma_start3A_59 = tpu.memref_squeeze %dma_start3A_58 : memref<1x1x160x128xi32, #tpu.memory_space<hbm>> -> memref<160x128xi32, #tpu.memory_space<hbm>>
      %dma_start3A_60 = arith.constant 0 : i32
      %dma_start3A_61 = arith.constant 0 : i32
      %dma_start3A_62 = tpu.memref_slice %arg3[%arg0, %arg1, %dma_start3A_60, %dma_start3A_61] : memref<2x16x160x128xi32, #tpu.memory_space<hbm>> -> memref<1x1x160x128xi32, #tpu.memory_space<hbm>>
      %dma_start3A_63 = tpu.memref_squeeze %dma_start3A_62 : memref<1x1x160x128xi32, #tpu.memory_space<hbm>> -> memref<160x128xi32, #tpu.memory_space<hbm>>
      tpu.enqueue_dma source(%dma_start3A_63 : memref<160x128xi32, #tpu.memory_space<hbm>>) target(%arg7 : memref<160x128xi32, #tpu.memory_space<vmem>>) target_semaphore(%run_scoped3A : memref<!tpu.dma_semaphore, #tpu.memory_space<semaphore_mem>>)
      %dma_wait3A_64 = arith.constant 0 : i32
      %dma_wait3A_65 = arith.constant 0 : i32
      %dma_wait3A_66 = tpu.memref_slice %arg3[%arg0, %arg1, %dma_wait3A_64, %dma_wait3A_65] : memref<2x16x160x128xi32, #tpu.memory_space<hbm>> -> memref<1x1x160x128xi32, #tpu.memory_space<hbm>>
      %dma_wait3A_67 = tpu.memref_squeeze %dma_wait3A_66 : memref<1x1x160x128xi32, #tpu.memory_space<hbm>> -> memref<160x128xi32, #tpu.memory_space<hbm>>
      %dma_wait3A_68 = arith.constant 0 : i32
      %dma_wait3A_69 = arith.constant 0 : i32
      %dma_wait3A_70 = tpu.memref_slice %arg3[%arg0, %arg1, %dma_wait3A_68, %dma_wait3A_69] : memref<2x16x160x128xi32, #tpu.memory_space<hbm>> -> memref<1x1x160x128xi32, #tpu.memory_space<hbm>>
      %dma_wait3A_71 = tpu.memref_squeeze %dma_wait3A_70 : memref<1x1x160x128xi32, #tpu.memory_space<hbm>> -> memref<160x128xi32, #tpu.memory_space<hbm>>
      tpu.wait_dma2 semaphore(%run_scoped3A : memref<!tpu.dma_semaphore, #tpu.memory_space<semaphore_mem>>) src(%dma_wait3A_71 : memref<160x128xi32, #tpu.memory_space<hbm>>) dst(%arg7 : memref<160x128xi32, #tpu.memory_space<vmem>>)
      tpu.yield
    }) : () -> ()
    "tpu.region"() ({
      %run_scoped3A = tpu.sem_alloc : memref<!tpu.dma_semaphore, #tpu.memory_space<semaphore_mem>>
      %dma_start3A_56 = arith.constant 0 : i32
      %dma_start3A_57 = arith.constant 0 : i32
      %dma_start3A_58 = tpu.memref_slice %arg4[%arg1, %dma_start3A_56, %dma_start3A_57] : memref<16x160x128xi32, #tpu.memory_space<hbm>> -> memref<1x160x128xi32, #tpu.memory_space<hbm>>
      %dma_start3A_59 = tpu.memref_squeeze %dma_start3A_58 : memref<1x160x128xi32, #tpu.memory_space<hbm>> -> memref<160x128xi32, #tpu.memory_space<hbm>>
      %dma_start3A_60 = arith.constant 0 : i32
      %dma_start3A_61 = arith.constant 0 : i32
      %dma_start3A_62 = tpu.memref_slice %arg4[%arg1, %dma_start3A_60, %dma_start3A_61] : memref<16x160x128xi32, #tpu.memory_space<hbm>> -> memref<1x160x128xi32, #tpu.memory_space<hbm>>
      %dma_start3A_63 = tpu.memref_squeeze %dma_start3A_62 : memref<1x160x128xi32, #tpu.memory_space<hbm>> -> memref<160x128xi32, #tpu.memory_space<hbm>>
      tpu.enqueue_dma source(%dma_start3A_63 : memref<160x128xi32, #tpu.memory_space<hbm>>) target(%arg8 : memref<160x128xi32, #tpu.memory_space<vmem>>) target_semaphore(%run_scoped3A : memref<!tpu.dma_semaphore, #tpu.memory_space<semaphore_mem>>)
      %dma_wait3A_64 = arith.constant 0 : i32
      %dma_wait3A_65 = arith.constant 0 : i32
      %dma_wait3A_66 = tpu.memref_slice %arg4[%arg1, %dma_wait3A_64, %dma_wait3A_65] : memref<16x160x128xi32, #tpu.memory_space<hbm>> -> memref<1x160x128xi32, #tpu.memory_space<hbm>>
      %dma_wait3A_67 = tpu.memref_squeeze %dma_wait3A_66 : memref<1x160x128xi32, #tpu.memory_space<hbm>> -> memref<160x128xi32, #tpu.memory_space<hbm>>
      %dma_wait3A_68 = arith.constant 0 : i32
      %dma_wait3A_69 = arith.constant 0 : i32
      %dma_wait3A_70 = tpu.memref_slice %arg4[%arg1, %dma_wait3A_68, %dma_wait3A_69] : memref<16x160x128xi32, #tpu.memory_space<hbm>> -> memref<1x160x128xi32, #tpu.memory_space<hbm>>
      %dma_wait3A_71 = tpu.memref_squeeze %dma_wait3A_70 : memref<1x160x128xi32, #tpu.memory_space<hbm>> -> memref<160x128xi32, #tpu.memory_space<hbm>>
      tpu.wait_dma2 semaphore(%run_scoped3A : memref<!tpu.dma_semaphore, #tpu.memory_space<semaphore_mem>>) src(%dma_wait3A_71 : memref<160x128xi32, #tpu.memory_space<hbm>>) dst(%arg8 : memref<160x128xi32, #tpu.memory_space<vmem>>)
      tpu.yield
    }) : () -> ()
    %mul3A = arith.constant 640 : i32
    %mul3A_0 = arith.muli %arg1, %mul3A : i32
    "tpu.region"() ({
      %run_scoped3A = tpu.sem_alloc : memref<!tpu.dma_semaphore, #tpu.memory_space<semaphore_mem>>
      %dma_start3A_56 = arith.constant 0 : i32
      %dma_start3A_57 = tpu.memref_slice %arg10[%mul3A_0, %dma_start3A_56] : memref<10240x64xf32, #tpu.memory_space<vmem_shared>> -> memref<640x64xf32, #tpu.memory_space<vmem_shared>>
      tpu.enqueue_dma source(%arg5 : memref<640x64xf32, #tpu.memory_space<hbm>>) target(%dma_start3A_57 : memref<640x64xf32, #tpu.memory_space<vmem_shared>>) target_semaphore(%run_scoped3A : memref<!tpu.dma_semaphore, #tpu.memory_space<semaphore_mem>>)
      %dma_wait3A_58 = arith.constant 0 : i32
      %dma_wait3A_59 = tpu.memref_slice %arg10[%mul3A_0, %dma_wait3A_58] : memref<10240x64xf32, #tpu.memory_space<vmem_shared>> -> memref<640x64xf32, #tpu.memory_space<vmem_shared>>
      tpu.wait_dma2 semaphore(%run_scoped3A : memref<!tpu.dma_semaphore, #tpu.memory_space<semaphore_mem>>) src(%arg5 : memref<640x64xf32, #tpu.memory_space<hbm>>) dst(%dma_wait3A_59 : memref<640x64xf32, #tpu.memory_space<vmem_shared>>)
      tpu.yield
    }) : () -> ()
    %barrier3A = arith.constant 0 : index
    tpu.barrier barrier_id(%barrier3A)
    %dma_start3A = arith.constant 0 : i32
    %dma_start3A_1 = arith.constant 0 : i32
    %dma_start3A_2 = arith.constant 0 : i32
    %dma_start3A_3 = arith.constant 0 : i32
    %dma_start3A_4 = tpu.memref_slice %arg9[%dma_start3A_1, %dma_start3A_2, %dma_start3A_3] : memref<4x128x64xf32, #tpu.memory_space<vmem>> -> memref<1x128x64xf32, #tpu.memory_space<vmem>>
    %dma_start3A_5 = tpu.memref_squeeze %dma_start3A_4 : memref<1x128x64xf32, #tpu.memory_space<vmem>> -> memref<128x64xf32, #tpu.memory_space<vmem>>
    %dma_start3A_6 = arith.constant 0 : i32
    %dma_start3A_7 = tpu.memref_slice %arg7[%dma_start3A, %dma_start3A_6] : memref<160x128xi32, #tpu.memory_space<vmem>> -> memref<1x128xi32, #tpu.memory_space<vmem>>
    %dma_start3A_8 = tpu.memref_squeeze %dma_start3A_7 : memref<1x128xi32, #tpu.memory_space<vmem>> -> memref<128xi32, #tpu.memory_space<vmem>>
    %dma_start3A_9 = arith.constant 0 : i32
    %dma_start3A_10 = arith.constant 0 : i32
    %dma_start3A_11 = tpu.memref_slice %arg2[%dma_start3A_9, %dma_start3A_10] : memref<20000x64xf32, #tpu.memory_space<hbm>> -> memref<20000x64xf32, #tpu.memory_space<hbm>>
    tpu.enqueue_indirect_dma source(%dma_start3A_11 : memref<20000x64xf32, #tpu.memory_space<hbm>>) target(%dma_start3A_5 : memref<128x64xf32, #tpu.memory_space<vmem>>) offsets(%dma_start3A_8 : memref<128xi32, #tpu.memory_space<vmem>>) semaphore(%arg11 : memref<!tpu.dma_semaphore, #tpu.memory_space<semaphore_mem>>)
    %dma_start3A_12 = arith.constant 1 : i32
    %dma_start3A_13 = arith.constant 1 : i32
    %dma_start3A_14 = arith.constant 0 : i32
    %dma_start3A_15 = arith.constant 0 : i32
    %dma_start3A_16 = tpu.memref_slice %arg9[%dma_start3A_13, %dma_start3A_14, %dma_start3A_15] : memref<4x128x64xf32, #tpu.memory_space<vmem>> -> memref<1x128x64xf32, #tpu.memory_space<vmem>>
    %dma_start3A_17 = tpu.memref_squeeze %dma_start3A_16 : memref<1x128x64xf32, #tpu.memory_space<vmem>> -> memref<128x64xf32, #tpu.memory_space<vmem>>
    %dma_start3A_18 = arith.constant 0 : i32
    %dma_start3A_19 = tpu.memref_slice %arg7[%dma_start3A_12, %dma_start3A_18] : memref<160x128xi32, #tpu.memory_space<vmem>> -> memref<1x128xi32, #tpu.memory_space<vmem>>
    %dma_start3A_20 = tpu.memref_squeeze %dma_start3A_19 : memref<1x128xi32, #tpu.memory_space<vmem>> -> memref<128xi32, #tpu.memory_space<vmem>>
    %dma_start3A_21 = arith.constant 0 : i32
    %dma_start3A_22 = arith.constant 0 : i32
    %dma_start3A_23 = tpu.memref_slice %arg2[%dma_start3A_21, %dma_start3A_22] : memref<20000x64xf32, #tpu.memory_space<hbm>> -> memref<20000x64xf32, #tpu.memory_space<hbm>>
    tpu.enqueue_indirect_dma source(%dma_start3A_23 : memref<20000x64xf32, #tpu.memory_space<hbm>>) target(%dma_start3A_17 : memref<128x64xf32, #tpu.memory_space<vmem>>) offsets(%dma_start3A_20 : memref<128xi32, #tpu.memory_space<vmem>>) semaphore(%arg12 : memref<!tpu.dma_semaphore, #tpu.memory_space<semaphore_mem>>)
    %scan3A = arith.constant 0 : i32
    %scan3A_24 = arith.constant 40 : i32
    %scan3A_25 = arith.addi %scan3A, %scan3A_24 : i32
    %scan3A_26 = arith.constant 1 : i32
    scf.for %scan3A_56 = %scan3A to %scan3A_25 step %scan3A_26  : i32 {
      %mul3A_57 = arith.constant 1 : i32
      %mul3A_58 = arith.muli %scan3A_56, %mul3A_57 : i32
      %add3A = arith.constant 0 : i32
      %add3A_59 = arith.addi %add3A, %mul3A_58 : i32
      %mul3A_60 = arith.constant 4 : i32
      %mul3A_61 = arith.muli %mul3A_60, %add3A_59 : i32
      %add3A_62 = arith.constant 0 : i32
      %add3A_63 = arith.addi %mul3A_61, %add3A_62 : i32
      %dma_wait3A_64 = arith.constant 0 : i32
      %dma_wait3A_65 = arith.constant 0 : i32
      %dma_wait3A_66 = arith.constant 0 : i32
      %dma_wait3A_67 = tpu.memref_slice %arg9[%dma_wait3A_64, %dma_wait3A_65, %dma_wait3A_66] : memref<4x128x64xf32, #tpu.memory_space<vmem>> -> memref<1x128x64xf32, #tpu.memory_space<vmem>>
      %dma_wait3A_68 = tpu.memref_squeeze %dma_wait3A_67 : memref<1x128x64xf32, #tpu.memory_space<vmem>> -> memref<128x64xf32, #tpu.memory_space<vmem>>
      %dma_wait3A_69 = arith.constant 0 : i32
      %dma_wait3A_70 = tpu.memref_slice %arg7[%add3A_63, %dma_wait3A_69] : memref<160x128xi32, #tpu.memory_space<vmem>> -> memref<1x128xi32, #tpu.memory_space<vmem>>
      %dma_wait3A_71 = tpu.memref_squeeze %dma_wait3A_70 : memref<1x128xi32, #tpu.memory_space<vmem>> -> memref<128xi32, #tpu.memory_space<vmem>>
      %dma_wait3A_72 = arith.constant 0 : i32
      %dma_wait3A_73 = arith.constant 0 : i32
      %dma_wait3A_74 = tpu.memref_slice %arg2[%dma_wait3A_72, %dma_wait3A_73] : memref<20000x64xf32, #tpu.memory_space<hbm>> -> memref<20000x64xf32, #tpu.memory_space<hbm>>
      tpu.wait_indirect_dma semaphore(%arg11 : memref<!tpu.dma_semaphore, #tpu.memory_space<semaphore_mem>>) src(%dma_wait3A_74 : memref<20000x64xf32, #tpu.memory_space<hbm>>) dst(%dma_wait3A_68 : memref<128x64xf32, #tpu.memory_space<vmem>>)
      %dma_start3A_75 = arith.constant 0 : i32
      %dma_start3A_76 = arith.constant 0 : i32
      %dma_start3A_77 = arith.constant 0 : i32
      %dma_start3A_78 = tpu.memref_slice %arg9[%dma_start3A_75, %dma_start3A_76, %dma_start3A_77] : memref<4x128x64xf32, #tpu.memory_space<vmem>> -> memref<1x128x64xf32, #tpu.memory_space<vmem>>
      %dma_start3A_79 = tpu.memref_squeeze %dma_start3A_78 : memref<1x128x64xf32, #tpu.memory_space<vmem>> -> memref<128x64xf32, #tpu.memory_space<vmem>>
      %dma_start3A_80 = arith.constant 0 : i32
      %dma_start3A_81 = tpu.memref_slice %arg8[%add3A_63, %dma_start3A_80] : memref<160x128xi32, #tpu.memory_space<vmem>> -> memref<1x128xi32, #tpu.memory_space<vmem>>
      %dma_start3A_82 = tpu.memref_squeeze %dma_start3A_81 : memref<1x128xi32, #tpu.memory_space<vmem>> -> memref<128xi32, #tpu.memory_space<vmem>>
      %dma_start3A_83 = arith.constant 0 : i32
      %dma_start3A_84 = arith.constant 0 : i32
      %dma_start3A_85 = tpu.memref_slice %arg10[%dma_start3A_83, %dma_start3A_84] : memref<10240x64xf32, #tpu.memory_space<vmem_shared>> -> memref<10240x64xf32, #tpu.memory_space<vmem_shared>>
      tpu.enqueue_indirect_dma source(%dma_start3A_79 : memref<128x64xf32, #tpu.memory_space<vmem>>) target(%dma_start3A_85 : memref<10240x64xf32, #tpu.memory_space<vmem_shared>>) offsets(%dma_start3A_82 : memref<128xi32, #tpu.memory_space<vmem>>) semaphore(%arg15 : memref<!tpu.dma_semaphore, #tpu.memory_space<semaphore_mem>>) {add = true}
      %ge3A = arith.constant 2 : i32
      %ge3A_86 = arith.cmpi sge, %add3A_63, %ge3A : i32
      %convert_element_type3A = arith.extui %ge3A_86 : i1 to i32
      %cond3A = arith.constant 0 : i32
      %cond3A_87 = arith.cmpi ne, %convert_element_type3A, %cond3A : i32
      scf.if %cond3A_87 {
        %dma_wait3A_200 = arith.constant 2 : i32
        %dma_wait3A_201 = arith.constant 0 : i32
        %dma_wait3A_202 = arith.constant 0 : i32
        %dma_wait3A_203 = tpu.memref_slice %arg9[%dma_wait3A_200, %dma_wait3A_201, %dma_wait3A_202] : memref<4x128x64xf32, #tpu.memory_space<vmem>> -> memref<1x128x64xf32, #tpu.memory_space<vmem>>
        %dma_wait3A_204 = tpu.memref_squeeze %dma_wait3A_203 : memref<1x128x64xf32, #tpu.memory_space<vmem>> -> memref<128x64xf32, #tpu.memory_space<vmem>>
        %dma_wait3A_205 = arith.constant 0 : i32
        %dma_wait3A_206 = tpu.memref_slice %arg8[%add3A_63, %dma_wait3A_205] : memref<160x128xi32, #tpu.memory_space<vmem>> -> memref<1x128xi32, #tpu.memory_space<vmem>>
        %dma_wait3A_207 = tpu.memref_squeeze %dma_wait3A_206 : memref<1x128xi32, #tpu.memory_space<vmem>> -> memref<128xi32, #tpu.memory_space<vmem>>
        %dma_wait3A_208 = arith.constant 0 : i32
        %dma_wait3A_209 = arith.constant 0 : i32
        %dma_wait3A_210 = tpu.memref_slice %arg10[%dma_wait3A_208, %dma_wait3A_209] : memref<10240x64xf32, #tpu.memory_space<vmem_shared>> -> memref<10240x64xf32, #tpu.memory_space<vmem_shared>>
        tpu.wait_indirect_dma semaphore(%arg17 : memref<!tpu.dma_semaphore, #tpu.memory_space<semaphore_mem>>) src(%dma_wait3A_204 : memref<128x64xf32, #tpu.memory_space<vmem>>) dst(%dma_wait3A_210 : memref<10240x64xf32, #tpu.memory_space<vmem_shared>>)
      } else {
      }
      %lt3A = arith.constant 158 : i32
      %lt3A_88 = arith.cmpi slt, %add3A_63, %lt3A : i32
      %convert_element_type3A_89 = arith.extui %lt3A_88 : i1 to i32
      %cond3A_90 = arith.constant 0 : i32
      %cond3A_91 = arith.cmpi ne, %convert_element_type3A_89, %cond3A_90 : i32
      scf.if %cond3A_91 {
        %add3A_200 = arith.constant 2 : i32
        %add3A_201 = arith.addi %add3A_63, %add3A_200 : i32
        %dma_start3A_202 = arith.constant 2 : i32
        %dma_start3A_203 = arith.constant 0 : i32
        %dma_start3A_204 = arith.constant 0 : i32
        %dma_start3A_205 = tpu.memref_slice %arg9[%dma_start3A_202, %dma_start3A_203, %dma_start3A_204] : memref<4x128x64xf32, #tpu.memory_space<vmem>> -> memref<1x128x64xf32, #tpu.memory_space<vmem>>
        %dma_start3A_206 = tpu.memref_squeeze %dma_start3A_205 : memref<1x128x64xf32, #tpu.memory_space<vmem>> -> memref<128x64xf32, #tpu.memory_space<vmem>>
        %dma_start3A_207 = arith.constant 0 : i32
        %dma_start3A_208 = tpu.memref_slice %arg7[%add3A_201, %dma_start3A_207] : memref<160x128xi32, #tpu.memory_space<vmem>> -> memref<1x128xi32, #tpu.memory_space<vmem>>
        %dma_start3A_209 = tpu.memref_squeeze %dma_start3A_208 : memref<1x128xi32, #tpu.memory_space<vmem>> -> memref<128xi32, #tpu.memory_space<vmem>>
        %dma_start3A_210 = arith.constant 0 : i32
        %dma_start3A_211 = arith.constant 0 : i32
        %dma_start3A_212 = tpu.memref_slice %arg2[%dma_start3A_210, %dma_start3A_211] : memref<20000x64xf32, #tpu.memory_space<hbm>> -> memref<20000x64xf32, #tpu.memory_space<hbm>>
        tpu.enqueue_indirect_dma source(%dma_start3A_212 : memref<20000x64xf32, #tpu.memory_space<hbm>>) target(%dma_start3A_206 : memref<128x64xf32, #tpu.memory_space<vmem>>) offsets(%dma_start3A_209 : memref<128xi32, #tpu.memory_space<vmem>>) semaphore(%arg13 : memref<!tpu.dma_semaphore, #tpu.memory_space<semaphore_mem>>)
      } else {
      }
      %mul3A_92 = arith.constant 4 : i32
      %mul3A_93 = arith.muli %mul3A_92, %add3A_59 : i32
      %add3A_94 = arith.constant 1 : i32
      %add3A_95 = arith.addi %mul3A_93, %add3A_94 : i32
      %dma_wait3A_96 = arith.constant 1 : i32
      %dma_wait3A_97 = arith.constant 0 : i32
      %dma_wait3A_98 = arith.constant 0 : i32
      %dma_wait3A_99 = tpu.memref_slice %arg9[%dma_wait3A_96, %dma_wait3A_97, %dma_wait3A_98] : memref<4x128x64xf32, #tpu.memory_space<vmem>> -> memref<1x128x64xf32, #tpu.memory_space<vmem>>
      %dma_wait3A_100 = tpu.memref_squeeze %dma_wait3A_99 : memref<1x128x64xf32, #tpu.memory_space<vmem>> -> memref<128x64xf32, #tpu.memory_space<vmem>>
      %dma_wait3A_101 = arith.constant 0 : i32
      %dma_wait3A_102 = tpu.memref_slice %arg7[%add3A_95, %dma_wait3A_101] : memref<160x128xi32, #tpu.memory_space<vmem>> -> memref<1x128xi32, #tpu.memory_space<vmem>>
      %dma_wait3A_103 = tpu.memref_squeeze %dma_wait3A_102 : memref<1x128xi32, #tpu.memory_space<vmem>> -> memref<128xi32, #tpu.memory_space<vmem>>
      %dma_wait3A_104 = arith.constant 0 : i32
      %dma_wait3A_105 = arith.constant 0 : i32
      %dma_wait3A_106 = tpu.memref_slice %arg2[%dma_wait3A_104, %dma_wait3A_105] : memref<20000x64xf32, #tpu.memory_space<hbm>> -> memref<20000x64xf32, #tpu.memory_space<hbm>>
      tpu.wait_indirect_dma semaphore(%arg12 : memref<!tpu.dma_semaphore, #tpu.memory_space<semaphore_mem>>) src(%dma_wait3A_106 : memref<20000x64xf32, #tpu.memory_space<hbm>>) dst(%dma_wait3A_100 : memref<128x64xf32, #tpu.memory_space<vmem>>)
      %dma_start3A_107 = arith.constant 1 : i32
      %dma_start3A_108 = arith.constant 0 : i32
      %dma_start3A_109 = arith.constant 0 : i32
      %dma_start3A_110 = tpu.memref_slice %arg9[%dma_start3A_107, %dma_start3A_108, %dma_start3A_109] : memref<4x128x64xf32, #tpu.memory_space<vmem>> -> memref<1x128x64xf32, #tpu.memory_space<vmem>>
      %dma_start3A_111 = tpu.memref_squeeze %dma_start3A_110 : memref<1x128x64xf32, #tpu.memory_space<vmem>> -> memref<128x64xf32, #tpu.memory_space<vmem>>
      %dma_start3A_112 = arith.constant 0 : i32
      %dma_start3A_113 = tpu.memref_slice %arg8[%add3A_95, %dma_start3A_112] : memref<160x128xi32, #tpu.memory_space<vmem>> -> memref<1x128xi32, #tpu.memory_space<vmem>>
      %dma_start3A_114 = tpu.memref_squeeze %dma_start3A_113 : memref<1x128xi32, #tpu.memory_space<vmem>> -> memref<128xi32, #tpu.memory_space<vmem>>
      %dma_start3A_115 = arith.constant 0 : i32
      %dma_start3A_116 = arith.constant 0 : i32
      %dma_start3A_117 = tpu.memref_slice %arg10[%dma_start3A_115, %dma_start3A_116] : memref<10240x64xf32, #tpu.memory_space<vmem_shared>> -> memref<10240x64xf32, #tpu.memory_space<vmem_shared>>
      tpu.enqueue_indirect_dma source(%dma_start3A_111 : memref<128x64xf32, #tpu.memory_space<vmem>>) target(%dma_start3A_117 : memref<10240x64xf32, #tpu.memory_space<vmem_shared>>) offsets(%dma_start3A_114 : memref<128xi32, #tpu.memory_space<vmem>>) semaphore(%arg16 : memref<!tpu.dma_semaphore, #tpu.memory_space<semaphore_mem>>) {add = true}
      %ge3A_118 = arith.constant 2 : i32
      %ge3A_119 = arith.cmpi sge, %add3A_95, %ge3A_118 : i32
      %convert_element_type3A_120 = arith.extui %ge3A_119 : i1 to i32
      %cond3A_121 = arith.constant 0 : i32
      %cond3A_122 = arith.cmpi ne, %convert_element_type3A_120, %cond3A_121 : i32
      scf.if %cond3A_122 {
        %dma_wait3A_200 = arith.constant 3 : i32
        %dma_wait3A_201 = arith.constant 0 : i32
        %dma_wait3A_202 = arith.constant 0 : i32
        %dma_wait3A_203 = tpu.memref_slice %arg9[%dma_wait3A_200, %dma_wait3A_201, %dma_wait3A_202] : memref<4x128x64xf32, #tpu.memory_space<vmem>> -> memref<1x128x64xf32, #tpu.memory_space<vmem>>
        %dma_wait3A_204 = tpu.memref_squeeze %dma_wait3A_203 : memref<1x128x64xf32, #tpu.memory_space<vmem>> -> memref<128x64xf32, #tpu.memory_space<vmem>>
        %dma_wait3A_205 = arith.constant 0 : i32
        %dma_wait3A_206 = tpu.memref_slice %arg8[%add3A_95, %dma_wait3A_205] : memref<160x128xi32, #tpu.memory_space<vmem>> -> memref<1x128xi32, #tpu.memory_space<vmem>>
        %dma_wait3A_207 = tpu.memref_squeeze %dma_wait3A_206 : memref<1x128xi32, #tpu.memory_space<vmem>> -> memref<128xi32, #tpu.memory_space<vmem>>
        %dma_wait3A_208 = arith.constant 0 : i32
        %dma_wait3A_209 = arith.constant 0 : i32
        %dma_wait3A_210 = tpu.memref_slice %arg10[%dma_wait3A_208, %dma_wait3A_209] : memref<10240x64xf32, #tpu.memory_space<vmem_shared>> -> memref<10240x64xf32, #tpu.memory_space<vmem_shared>>
        tpu.wait_indirect_dma semaphore(%arg18 : memref<!tpu.dma_semaphore, #tpu.memory_space<semaphore_mem>>) src(%dma_wait3A_204 : memref<128x64xf32, #tpu.memory_space<vmem>>) dst(%dma_wait3A_210 : memref<10240x64xf32, #tpu.memory_space<vmem_shared>>)
      } else {
      }
      %lt3A_123 = arith.constant 158 : i32
      %lt3A_124 = arith.cmpi slt, %add3A_95, %lt3A_123 : i32
      %convert_element_type3A_125 = arith.extui %lt3A_124 : i1 to i32
      %cond3A_126 = arith.constant 0 : i32
      %cond3A_127 = arith.cmpi ne, %convert_element_type3A_125, %cond3A_126 : i32
      scf.if %cond3A_127 {
        %add3A_200 = arith.constant 2 : i32
        %add3A_201 = arith.addi %add3A_95, %add3A_200 : i32
        %dma_start3A_202 = arith.constant 3 : i32
        %dma_start3A_203 = arith.constant 0 : i32
        %dma_start3A_204 = arith.constant 0 : i32
        %dma_start3A_205 = tpu.memref_slice %arg9[%dma_start3A_202, %dma_start3A_203, %dma_start3A_204] : memref<4x128x64xf32, #tpu.memory_space<vmem>> -> memref<1x128x64xf32, #tpu.memory_space<vmem>>
        %dma_start3A_206 = tpu.memref_squeeze %dma_start3A_205 : memref<1x128x64xf32, #tpu.memory_space<vmem>> -> memref<128x64xf32, #tpu.memory_space<vmem>>
        %dma_start3A_207 = arith.constant 0 : i32
        %dma_start3A_208 = tpu.memref_slice %arg7[%add3A_201, %dma_start3A_207] : memref<160x128xi32, #tpu.memory_space<vmem>> -> memref<1x128xi32, #tpu.memory_space<vmem>>
        %dma_start3A_209 = tpu.memref_squeeze %dma_start3A_208 : memref<1x128xi32, #tpu.memory_space<vmem>> -> memref<128xi32, #tpu.memory_space<vmem>>
        %dma_start3A_210 = arith.constant 0 : i32
        %dma_start3A_211 = arith.constant 0 : i32
        %dma_start3A_212 = tpu.memref_slice %arg2[%dma_start3A_210, %dma_start3A_211] : memref<20000x64xf32, #tpu.memory_space<hbm>> -> memref<20000x64xf32, #tpu.memory_space<hbm>>
        tpu.enqueue_indirect_dma source(%dma_start3A_212 : memref<20000x64xf32, #tpu.memory_space<hbm>>) target(%dma_start3A_206 : memref<128x64xf32, #tpu.memory_space<vmem>>) offsets(%dma_start3A_209 : memref<128xi32, #tpu.memory_space<vmem>>) semaphore(%arg14 : memref<!tpu.dma_semaphore, #tpu.memory_space<semaphore_mem>>)
      } else {
      }
      %mul3A_128 = arith.constant 4 : i32
      %mul3A_129 = arith.muli %mul3A_128, %add3A_59 : i32
      %add3A_130 = arith.constant 2 : i32
      %add3A_131 = arith.addi %mul3A_129, %add3A_130 : i32
      %dma_wait3A_132 = arith.constant 2 : i32
      %dma_wait3A_133 = arith.constant 0 : i32
      %dma_wait3A_134 = arith.constant 0 : i32
      %dma_wait3A_135 = tpu.memref_slice %arg9[%dma_wait3A_132, %dma_wait3A_133, %dma_wait3A_134] : memref<4x128x64xf32, #tpu.memory_space<vmem>> -> memref<1x128x64xf32, #tpu.memory_space<vmem>>
      %dma_wait3A_136 = tpu.memref_squeeze %dma_wait3A_135 : memref<1x128x64xf32, #tpu.memory_space<vmem>> -> memref<128x64xf32, #tpu.memory_space<vmem>>
      %dma_wait3A_137 = arith.constant 0 : i32
      %dma_wait3A_138 = tpu.memref_slice %arg7[%add3A_131, %dma_wait3A_137] : memref<160x128xi32, #tpu.memory_space<vmem>> -> memref<1x128xi32, #tpu.memory_space<vmem>>
      %dma_wait3A_139 = tpu.memref_squeeze %dma_wait3A_138 : memref<1x128xi32, #tpu.memory_space<vmem>> -> memref<128xi32, #tpu.memory_space<vmem>>
      %dma_wait3A_140 = arith.constant 0 : i32
      %dma_wait3A_141 = arith.constant 0 : i32
      %dma_wait3A_142 = tpu.memref_slice %arg2[%dma_wait3A_140, %dma_wait3A_141] : memref<20000x64xf32, #tpu.memory_space<hbm>> -> memref<20000x64xf32, #tpu.memory_space<hbm>>
      tpu.wait_indirect_dma semaphore(%arg13 : memref<!tpu.dma_semaphore, #tpu.memory_space<semaphore_mem>>) src(%dma_wait3A_142 : memref<20000x64xf32, #tpu.memory_space<hbm>>) dst(%dma_wait3A_136 : memref<128x64xf32, #tpu.memory_space<vmem>>)
      %dma_start3A_143 = arith.constant 2 : i32
      %dma_start3A_144 = arith.constant 0 : i32
      %dma_start3A_145 = arith.constant 0 : i32
      %dma_start3A_146 = tpu.memref_slice %arg9[%dma_start3A_143, %dma_start3A_144, %dma_start3A_145] : memref<4x128x64xf32, #tpu.memory_space<vmem>> -> memref<1x128x64xf32, #tpu.memory_space<vmem>>
      %dma_start3A_147 = tpu.memref_squeeze %dma_start3A_146 : memref<1x128x64xf32, #tpu.memory_space<vmem>> -> memref<128x64xf32, #tpu.memory_space<vmem>>
      %dma_start3A_148 = arith.constant 0 : i32
      %dma_start3A_149 = tpu.memref_slice %arg8[%add3A_131, %dma_start3A_148] : memref<160x128xi32, #tpu.memory_space<vmem>> -> memref<1x128xi32, #tpu.memory_space<vmem>>
      %dma_start3A_150 = tpu.memref_squeeze %dma_start3A_149 : memref<1x128xi32, #tpu.memory_space<vmem>> -> memref<128xi32, #tpu.memory_space<vmem>>
      %dma_start3A_151 = arith.constant 0 : i32
      %dma_start3A_152 = arith.constant 0 : i32
      %dma_start3A_153 = tpu.memref_slice %arg10[%dma_start3A_151, %dma_start3A_152] : memref<10240x64xf32, #tpu.memory_space<vmem_shared>> -> memref<10240x64xf32, #tpu.memory_space<vmem_shared>>
      tpu.enqueue_indirect_dma source(%dma_start3A_147 : memref<128x64xf32, #tpu.memory_space<vmem>>) target(%dma_start3A_153 : memref<10240x64xf32, #tpu.memory_space<vmem_shared>>) offsets(%dma_start3A_150 : memref<128xi32, #tpu.memory_space<vmem>>) semaphore(%arg17 : memref<!tpu.dma_semaphore, #tpu.memory_space<semaphore_mem>>) {add = true}
      %ge3A_154 = arith.constant 2 : i32
      %ge3A_155 = arith.cmpi sge, %add3A_131, %ge3A_154 : i32
      %convert_element_type3A_156 = arith.extui %ge3A_155 : i1 to i32
      %cond3A_157 = arith.constant 0 : i32
      %cond3A_158 = arith.cmpi ne, %convert_element_type3A_156, %cond3A_157 : i32
      scf.if %cond3A_158 {
        %dma_wait3A_200 = arith.constant 0 : i32
        %dma_wait3A_201 = arith.constant 0 : i32
        %dma_wait3A_202 = arith.constant 0 : i32
        %dma_wait3A_203 = tpu.memref_slice %arg9[%dma_wait3A_200, %dma_wait3A_201, %dma_wait3A_202] : memref<4x128x64xf32, #tpu.memory_space<vmem>> -> memref<1x128x64xf32, #tpu.memory_space<vmem>>
        %dma_wait3A_204 = tpu.memref_squeeze %dma_wait3A_203 : memref<1x128x64xf32, #tpu.memory_space<vmem>> -> memref<128x64xf32, #tpu.memory_space<vmem>>
        %dma_wait3A_205 = arith.constant 0 : i32
        %dma_wait3A_206 = tpu.memref_slice %arg8[%add3A_131, %dma_wait3A_205] : memref<160x128xi32, #tpu.memory_space<vmem>> -> memref<1x128xi32, #tpu.memory_space<vmem>>
        %dma_wait3A_207 = tpu.memref_squeeze %dma_wait3A_206 : memref<1x128xi32, #tpu.memory_space<vmem>> -> memref<128xi32, #tpu.memory_space<vmem>>
        %dma_wait3A_208 = arith.constant 0 : i32
        %dma_wait3A_209 = arith.constant 0 : i32
        %dma_wait3A_210 = tpu.memref_slice %arg10[%dma_wait3A_208, %dma_wait3A_209] : memref<10240x64xf32, #tpu.memory_space<vmem_shared>> -> memref<10240x64xf32, #tpu.memory_space<vmem_shared>>
        tpu.wait_indirect_dma semaphore(%arg15 : memref<!tpu.dma_semaphore, #tpu.memory_space<semaphore_mem>>) src(%dma_wait3A_204 : memref<128x64xf32, #tpu.memory_space<vmem>>) dst(%dma_wait3A_210 : memref<10240x64xf32, #tpu.memory_space<vmem_shared>>)
      } else {
      }
      %lt3A_159 = arith.constant 158 : i32
      %lt3A_160 = arith.cmpi slt, %add3A_131, %lt3A_159 : i32
      %convert_element_type3A_161 = arith.extui %lt3A_160 : i1 to i32
      %cond3A_162 = arith.constant 0 : i32
      %cond3A_163 = arith.cmpi ne, %convert_element_type3A_161, %cond3A_162 : i32
      scf.if %cond3A_163 {
        %add3A_200 = arith.constant 2 : i32
        %add3A_201 = arith.addi %add3A_131, %add3A_200 : i32
        %dma_start3A_202 = arith.constant 0 : i32
        %dma_start3A_203 = arith.constant 0 : i32
        %dma_start3A_204 = arith.constant 0 : i32
        %dma_start3A_205 = tpu.memref_slice %arg9[%dma_start3A_202, %dma_start3A_203, %dma_start3A_204] : memref<4x128x64xf32, #tpu.memory_space<vmem>> -> memref<1x128x64xf32, #tpu.memory_space<vmem>>
        %dma_start3A_206 = tpu.memref_squeeze %dma_start3A_205 : memref<1x128x64xf32, #tpu.memory_space<vmem>> -> memref<128x64xf32, #tpu.memory_space<vmem>>
        %dma_start3A_207 = arith.constant 0 : i32
        %dma_start3A_208 = tpu.memref_slice %arg7[%add3A_201, %dma_start3A_207] : memref<160x128xi32, #tpu.memory_space<vmem>> -> memref<1x128xi32, #tpu.memory_space<vmem>>
        %dma_start3A_209 = tpu.memref_squeeze %dma_start3A_208 : memref<1x128xi32, #tpu.memory_space<vmem>> -> memref<128xi32, #tpu.memory_space<vmem>>
        %dma_start3A_210 = arith.constant 0 : i32
        %dma_start3A_211 = arith.constant 0 : i32
        %dma_start3A_212 = tpu.memref_slice %arg2[%dma_start3A_210, %dma_start3A_211] : memref<20000x64xf32, #tpu.memory_space<hbm>> -> memref<20000x64xf32, #tpu.memory_space<hbm>>
        tpu.enqueue_indirect_dma source(%dma_start3A_212 : memref<20000x64xf32, #tpu.memory_space<hbm>>) target(%dma_start3A_206 : memref<128x64xf32, #tpu.memory_space<vmem>>) offsets(%dma_start3A_209 : memref<128xi32, #tpu.memory_space<vmem>>) semaphore(%arg11 : memref<!tpu.dma_semaphore, #tpu.memory_space<semaphore_mem>>)
      } else {
      }
      %mul3A_164 = arith.constant 4 : i32
      %mul3A_165 = arith.muli %mul3A_164, %add3A_59 : i32
      %add3A_166 = arith.constant 3 : i32
      %add3A_167 = arith.addi %mul3A_165, %add3A_166 : i32
      %dma_wait3A_168 = arith.constant 3 : i32
      %dma_wait3A_169 = arith.constant 0 : i32
      %dma_wait3A_170 = arith.constant 0 : i32
      %dma_wait3A_171 = tpu.memref_slice %arg9[%dma_wait3A_168, %dma_wait3A_169, %dma_wait3A_170] : memref<4x128x64xf32, #tpu.memory_space<vmem>> -> memref<1x128x64xf32, #tpu.memory_space<vmem>>
      %dma_wait3A_172 = tpu.memref_squeeze %dma_wait3A_171 : memref<1x128x64xf32, #tpu.memory_space<vmem>> -> memref<128x64xf32, #tpu.memory_space<vmem>>
      %dma_wait3A_173 = arith.constant 0 : i32
      %dma_wait3A_174 = tpu.memref_slice %arg7[%add3A_167, %dma_wait3A_173] : memref<160x128xi32, #tpu.memory_space<vmem>> -> memref<1x128xi32, #tpu.memory_space<vmem>>
      %dma_wait3A_175 = tpu.memref_squeeze %dma_wait3A_174 : memref<1x128xi32, #tpu.memory_space<vmem>> -> memref<128xi32, #tpu.memory_space<vmem>>
      %dma_wait3A_176 = arith.constant 0 : i32
      %dma_wait3A_177 = arith.constant 0 : i32
      %dma_wait3A_178 = tpu.memref_slice %arg2[%dma_wait3A_176, %dma_wait3A_177] : memref<20000x64xf32, #tpu.memory_space<hbm>> -> memref<20000x64xf32, #tpu.memory_space<hbm>>
      tpu.wait_indirect_dma semaphore(%arg14 : memref<!tpu.dma_semaphore, #tpu.memory_space<semaphore_mem>>) src(%dma_wait3A_178 : memref<20000x64xf32, #tpu.memory_space<hbm>>) dst(%dma_wait3A_172 : memref<128x64xf32, #tpu.memory_space<vmem>>)
      %dma_start3A_179 = arith.constant 3 : i32
      %dma_start3A_180 = arith.constant 0 : i32
      %dma_start3A_181 = arith.constant 0 : i32
      %dma_start3A_182 = tpu.memref_slice %arg9[%dma_start3A_179, %dma_start3A_180, %dma_start3A_181] : memref<4x128x64xf32, #tpu.memory_space<vmem>> -> memref<1x128x64xf32, #tpu.memory_space<vmem>>
      %dma_start3A_183 = tpu.memref_squeeze %dma_start3A_182 : memref<1x128x64xf32, #tpu.memory_space<vmem>> -> memref<128x64xf32, #tpu.memory_space<vmem>>
      %dma_start3A_184 = arith.constant 0 : i32
      %dma_start3A_185 = tpu.memref_slice %arg8[%add3A_167, %dma_start3A_184] : memref<160x128xi32, #tpu.memory_space<vmem>> -> memref<1x128xi32, #tpu.memory_space<vmem>>
      %dma_start3A_186 = tpu.memref_squeeze %dma_start3A_185 : memref<1x128xi32, #tpu.memory_space<vmem>> -> memref<128xi32, #tpu.memory_space<vmem>>
      %dma_start3A_187 = arith.constant 0 : i32
      %dma_start3A_188 = arith.constant 0 : i32
      %dma_start3A_189 = tpu.memref_slice %arg10[%dma_start3A_187, %dma_start3A_188] : memref<10240x64xf32, #tpu.memory_space<vmem_shared>> -> memref<10240x64xf32, #tpu.memory_space<vmem_shared>>
      tpu.enqueue_indirect_dma source(%dma_start3A_183 : memref<128x64xf32, #tpu.memory_space<vmem>>) target(%dma_start3A_189 : memref<10240x64xf32, #tpu.memory_space<vmem_shared>>) offsets(%dma_start3A_186 : memref<128xi32, #tpu.memory_space<vmem>>) semaphore(%arg18 : memref<!tpu.dma_semaphore, #tpu.memory_space<semaphore_mem>>) {add = true}
      %ge3A_190 = arith.constant 2 : i32
      %ge3A_191 = arith.cmpi sge, %add3A_167, %ge3A_190 : i32
      %convert_element_type3A_192 = arith.extui %ge3A_191 : i1 to i32
      %cond3A_193 = arith.constant 0 : i32
      %cond3A_194 = arith.cmpi ne, %convert_element_type3A_192, %cond3A_193 : i32
      scf.if %cond3A_194 {
        %dma_wait3A_200 = arith.constant 1 : i32
        %dma_wait3A_201 = arith.constant 0 : i32
        %dma_wait3A_202 = arith.constant 0 : i32
        %dma_wait3A_203 = tpu.memref_slice %arg9[%dma_wait3A_200, %dma_wait3A_201, %dma_wait3A_202] : memref<4x128x64xf32, #tpu.memory_space<vmem>> -> memref<1x128x64xf32, #tpu.memory_space<vmem>>
        %dma_wait3A_204 = tpu.memref_squeeze %dma_wait3A_203 : memref<1x128x64xf32, #tpu.memory_space<vmem>> -> memref<128x64xf32, #tpu.memory_space<vmem>>
        %dma_wait3A_205 = arith.constant 0 : i32
        %dma_wait3A_206 = tpu.memref_slice %arg8[%add3A_167, %dma_wait3A_205] : memref<160x128xi32, #tpu.memory_space<vmem>> -> memref<1x128xi32, #tpu.memory_space<vmem>>
        %dma_wait3A_207 = tpu.memref_squeeze %dma_wait3A_206 : memref<1x128xi32, #tpu.memory_space<vmem>> -> memref<128xi32, #tpu.memory_space<vmem>>
        %dma_wait3A_208 = arith.constant 0 : i32
        %dma_wait3A_209 = arith.constant 0 : i32
        %dma_wait3A_210 = tpu.memref_slice %arg10[%dma_wait3A_208, %dma_wait3A_209] : memref<10240x64xf32, #tpu.memory_space<vmem_shared>> -> memref<10240x64xf32, #tpu.memory_space<vmem_shared>>
        tpu.wait_indirect_dma semaphore(%arg16 : memref<!tpu.dma_semaphore, #tpu.memory_space<semaphore_mem>>) src(%dma_wait3A_204 : memref<128x64xf32, #tpu.memory_space<vmem>>) dst(%dma_wait3A_210 : memref<10240x64xf32, #tpu.memory_space<vmem_shared>>)
      } else {
      }
      %lt3A_195 = arith.constant 158 : i32
      %lt3A_196 = arith.cmpi slt, %add3A_167, %lt3A_195 : i32
      %convert_element_type3A_197 = arith.extui %lt3A_196 : i1 to i32
      %cond3A_198 = arith.constant 0 : i32
      %cond3A_199 = arith.cmpi ne, %convert_element_type3A_197, %cond3A_198 : i32
      scf.if %cond3A_199 {
        %add3A_200 = arith.constant 2 : i32
        %add3A_201 = arith.addi %add3A_167, %add3A_200 : i32
        %dma_start3A_202 = arith.constant 1 : i32
        %dma_start3A_203 = arith.constant 0 : i32
        %dma_start3A_204 = arith.constant 0 : i32
        %dma_start3A_205 = tpu.memref_slice %arg9[%dma_start3A_202, %dma_start3A_203, %dma_start3A_204] : memref<4x128x64xf32, #tpu.memory_space<vmem>> -> memref<1x128x64xf32, #tpu.memory_space<vmem>>
        %dma_start3A_206 = tpu.memref_squeeze %dma_start3A_205 : memref<1x128x64xf32, #tpu.memory_space<vmem>> -> memref<128x64xf32, #tpu.memory_space<vmem>>
        %dma_start3A_207 = arith.constant 0 : i32
        %dma_start3A_208 = tpu.memref_slice %arg7[%add3A_201, %dma_start3A_207] : memref<160x128xi32, #tpu.memory_space<vmem>> -> memref<1x128xi32, #tpu.memory_space<vmem>>
        %dma_start3A_209 = tpu.memref_squeeze %dma_start3A_208 : memref<1x128xi32, #tpu.memory_space<vmem>> -> memref<128xi32, #tpu.memory_space<vmem>>
        %dma_start3A_210 = arith.constant 0 : i32
        %dma_start3A_211 = arith.constant 0 : i32
        %dma_start3A_212 = tpu.memref_slice %arg2[%dma_start3A_210, %dma_start3A_211] : memref<20000x64xf32, #tpu.memory_space<hbm>> -> memref<20000x64xf32, #tpu.memory_space<hbm>>
        tpu.enqueue_indirect_dma source(%dma_start3A_212 : memref<20000x64xf32, #tpu.memory_space<hbm>>) target(%dma_start3A_206 : memref<128x64xf32, #tpu.memory_space<vmem>>) offsets(%dma_start3A_209 : memref<128xi32, #tpu.memory_space<vmem>>) semaphore(%arg12 : memref<!tpu.dma_semaphore, #tpu.memory_space<semaphore_mem>>)
      } else {
      }
    }
    %scan3A_27 = arith.constant 40 : i32
    %dma_wait3A = arith.constant 2 : i32
    %dma_wait3A_28 = arith.constant 0 : i32
    %dma_wait3A_29 = arith.constant 0 : i32
    %dma_wait3A_30 = arith.constant 0 : i32
    %dma_wait3A_31 = tpu.memref_slice %arg9[%dma_wait3A, %dma_wait3A_29, %dma_wait3A_30] : memref<4x128x64xf32, #tpu.memory_space<vmem>> -> memref<1x128x64xf32, #tpu.memory_space<vmem>>
    %dma_wait3A_32 = tpu.memref_squeeze %dma_wait3A_31 : memref<1x128x64xf32, #tpu.memory_space<vmem>> -> memref<128x64xf32, #tpu.memory_space<vmem>>
    %dma_wait3A_33 = arith.constant 0 : i32
    %dma_wait3A_34 = tpu.memref_slice %arg8[%dma_wait3A_28, %dma_wait3A_33] : memref<160x128xi32, #tpu.memory_space<vmem>> -> memref<1x128xi32, #tpu.memory_space<vmem>>
    %dma_wait3A_35 = tpu.memref_squeeze %dma_wait3A_34 : memref<1x128xi32, #tpu.memory_space<vmem>> -> memref<128xi32, #tpu.memory_space<vmem>>
    %dma_wait3A_36 = arith.constant 0 : i32
    %dma_wait3A_37 = arith.constant 0 : i32
    %dma_wait3A_38 = tpu.memref_slice %arg10[%dma_wait3A_36, %dma_wait3A_37] : memref<10240x64xf32, #tpu.memory_space<vmem_shared>> -> memref<10240x64xf32, #tpu.memory_space<vmem_shared>>
    tpu.wait_indirect_dma semaphore(%arg17 : memref<!tpu.dma_semaphore, #tpu.memory_space<semaphore_mem>>) src(%dma_wait3A_32 : memref<128x64xf32, #tpu.memory_space<vmem>>) dst(%dma_wait3A_38 : memref<10240x64xf32, #tpu.memory_space<vmem_shared>>)
    %dma_wait3A_39 = arith.constant 3 : i32
    %dma_wait3A_40 = arith.constant 0 : i32
    %dma_wait3A_41 = arith.constant 0 : i32
    %dma_wait3A_42 = arith.constant 0 : i32
    %dma_wait3A_43 = tpu.memref_slice %arg9[%dma_wait3A_39, %dma_wait3A_41, %dma_wait3A_42] : memref<4x128x64xf32, #tpu.memory_space<vmem>> -> memref<1x128x64xf32, #tpu.memory_space<vmem>>
    %dma_wait3A_44 = tpu.memref_squeeze %dma_wait3A_43 : memref<1x128x64xf32, #tpu.memory_space<vmem>> -> memref<128x64xf32, #tpu.memory_space<vmem>>
    %dma_wait3A_45 = arith.constant 0 : i32
    %dma_wait3A_46 = tpu.memref_slice %arg8[%dma_wait3A_40, %dma_wait3A_45] : memref<160x128xi32, #tpu.memory_space<vmem>> -> memref<1x128xi32, #tpu.memory_space<vmem>>
    %dma_wait3A_47 = tpu.memref_squeeze %dma_wait3A_46 : memref<1x128xi32, #tpu.memory_space<vmem>> -> memref<128xi32, #tpu.memory_space<vmem>>
    %dma_wait3A_48 = arith.constant 0 : i32
    %dma_wait3A_49 = arith.constant 0 : i32
    %dma_wait3A_50 = tpu.memref_slice %arg10[%dma_wait3A_48, %dma_wait3A_49] : memref<10240x64xf32, #tpu.memory_space<vmem_shared>> -> memref<10240x64xf32, #tpu.memory_space<vmem_shared>>
    tpu.wait_indirect_dma semaphore(%arg18 : memref<!tpu.dma_semaphore, #tpu.memory_space<semaphore_mem>>) src(%dma_wait3A_44 : memref<128x64xf32, #tpu.memory_space<vmem>>) dst(%dma_wait3A_50 : memref<10240x64xf32, #tpu.memory_space<vmem_shared>>)
    %barrier3A_51 = arith.constant 0 : index
    tpu.barrier barrier_id(%barrier3A_51)
    %mul3A_52 = arith.constant 640 : i32
    %mul3A_53 = arith.muli %arg1, %mul3A_52 : i32
    %mul3A_54 = arith.constant 640 : i32
    %mul3A_55 = arith.muli %arg1, %mul3A_54 : i32
    "tpu.region"() ({
      %run_scoped3A = tpu.sem_alloc : memref<!tpu.dma_semaphore, #tpu.memory_space<semaphore_mem>>
      %dma_start3A_56 = arith.constant 0 : i32
      %dma_start3A_57 = tpu.memref_slice %arg6[%arg0, %mul3A_55, %dma_start3A_56] : memref<2x10240x64xf32, #tpu.memory_space<hbm>> -> memref<1x640x64xf32, #tpu.memory_space<hbm>>
      %dma_start3A_58 = tpu.memref_squeeze %dma_start3A_57 : memref<1x640x64xf32, #tpu.memory_space<hbm>> -> memref<640x64xf32, #tpu.memory_space<hbm>>
      %dma_start3A_59 = arith.constant 0 : i32
      %dma_start3A_60 = tpu.memref_slice %arg10[%mul3A_53, %dma_start3A_59] : memref<10240x64xf32, #tpu.memory_space<vmem_shared>> -> memref<640x64xf32, #tpu.memory_space<vmem_shared>>
      tpu.enqueue_dma source(%dma_start3A_60 : memref<640x64xf32, #tpu.memory_space<vmem_shared>>) target(%dma_start3A_58 : memref<640x64xf32, #tpu.memory_space<hbm>>) target_semaphore(%run_scoped3A : memref<!tpu.dma_semaphore, #tpu.memory_space<semaphore_mem>>)
      %dma_wait3A_61 = arith.constant 0 : i32
      %dma_wait3A_62 = tpu.memref_slice %arg6[%arg0, %mul3A_55, %dma_wait3A_61] : memref<2x10240x64xf32, #tpu.memory_space<hbm>> -> memref<1x640x64xf32, #tpu.memory_space<hbm>>
      %dma_wait3A_63 = tpu.memref_squeeze %dma_wait3A_62 : memref<1x640x64xf32, #tpu.memory_space<hbm>> -> memref<640x64xf32, #tpu.memory_space<hbm>>
      %dma_wait3A_64 = arith.constant 0 : i32
      %dma_wait3A_65 = tpu.memref_slice %arg10[%mul3A_53, %dma_wait3A_64] : memref<10240x64xf32, #tpu.memory_space<vmem_shared>> -> memref<640x64xf32, #tpu.memory_space<vmem_shared>>
      tpu.wait_dma2 semaphore(%run_scoped3A : memref<!tpu.dma_semaphore, #tpu.memory_space<semaphore_mem>>) src(%dma_wait3A_65 : memref<640x64xf32, #tpu.memory_space<vmem_shared>>) dst(%dma_wait3A_63 : memref<640x64xf32, #tpu.memory_space<hbm>>)
      tpu.yield
    }) : () -> ()
    return
  }
}

#map = affine_map<(d0, d1) -> (0, 0)>
#map1 = affine_map<(d0, d1) -> (0, 0, 0, 0)>
#map2 = affine_map<(d0, d1) -> (0, 0, 0)>
module attributes {stable_mosaic.version = 14 : i64} {
  func.func @_prop_body(%arg0: i32, %arg1: i32, %arg2: memref<20000x64xf32, #tpu.memory_space<hbm>>, %arg3: memref<2x16x160x128xi32, #tpu.memory_space<hbm>>, %arg4: memref<16x160x128xi32, #tpu.memory_space<hbm>>, %arg5: memref<640x64xf32, #tpu.memory_space<hbm>>, %arg6: memref<2x10240x64xf32, #tpu.memory_space<hbm>>, %arg7: memref<160x128xi32, #tpu.memory_space<vmem>>, %arg8: memref<160x128xi32, #tpu.memory_space<vmem>>, %arg9: memref<4x128x64xf32, #tpu.memory_space<vmem>>, %arg10: memref<10240x64xf32, #tpu.memory_space<vmem_shared>>, %arg11: memref<!tpu.dma_semaphore, #tpu.memory_space<semaphore_mem>>, %arg12: memref<!tpu.dma_semaphore, #tpu.memory_space<semaphore_mem>>, %arg13: memref<!tpu.dma_semaphore, #tpu.memory_space<semaphore_mem>>, %arg14: memref<!tpu.dma_semaphore, #tpu.memory_space<semaphore_mem>>, %arg15: memref<!tpu.dma_semaphore, #tpu.memory_space<semaphore_mem>>, %arg16: memref<!tpu.dma_semaphore, #tpu.memory_space<semaphore_mem>>, %arg17: memref<!tpu.dma_semaphore, #tpu.memory_space<semaphore_mem>>, %arg18: memref<!tpu.dma_semaphore, #tpu.memory_space<semaphore_mem>>) attributes {dimension_semantics = [#tpu.dimension_semantics<core_parallel>, #tpu.dimension_semantics<subcore_parallel>], iteration_bounds = array<i64: 2, 16>, scalar_prefetch = 0 : i64, scratch_operands = 12 : i64, tpu.core_type = #tpu.core_type<sc_vector_subcore>, window_params = [{transform_indices = #map}, {transform_indices = #map1}, {transform_indices = #map2}, {transform_indices = #map}, {transform_indices = #map2}]} {
    "tpu.region"() ({
      %run_scoped3A = tpu.sem_alloc : memref<!tpu.dma_semaphore, #tpu.memory_space<semaphore_mem>>
      %dma_start3A_56 = arith.constant 0 : i32
      %dma_start3A_57 = arith.constant 0 : i32
      %dma_start3A_58 = tpu.memref_slice %arg3[%arg0, %arg1, %dma_start3A_56, %dma_start3A_57] : memref<2x16x160x128xi32, #tpu.memory_space<hbm>> -> memref<1x1x160x128xi32, #tpu.memory_space<hbm>>
      %dma_start3A_59 = tpu.memref_squeeze %dma_start3A_58 : memref<1x1x160x128xi32, #tpu.memory_space<hbm>> -> memref<160x128xi32, #tpu.memory_space<hbm>>
      %dma_start3A_60 = arith.constant 0 : i32
      %dma_start3A_61 = arith.constant 0 : i32
      %dma_start3A_62 = tpu.memref_slice %arg3[%arg0, %arg1, %dma_start3A_60, %dma_start3A_61] : memref<2x16x160x128xi32, #tpu.memory_space<hbm>> -> memref<1x1x160x128xi32, #tpu.memory_space<hbm>>
      %dma_start3A_63 = tpu.memref_squeeze %dma_start3A_62 : memref<1x1x160x128xi32, #tpu.memory_space<hbm>> -> memref<160x128xi32, #tpu.memory_space<hbm>>
      tpu.enqueue_dma source(%dma_start3A_63 : memref<160x128xi32, #tpu.memory_space<hbm>>) target(%arg7 : memref<160x128xi32, #tpu.memory_space<vmem>>) target_semaphore(%run_scoped3A : memref<!tpu.dma_semaphore, #tpu.memory_space<semaphore_mem>>)
      %dma_wait3A_64 = arith.constant 0 : i32
      %dma_wait3A_65 = arith.constant 0 : i32
      %dma_wait3A_66 = tpu.memref_slice %arg3[%arg0, %arg1, %dma_wait3A_64, %dma_wait3A_65] : memref<2x16x160x128xi32, #tpu.memory_space<hbm>> -> memref<1x1x160x128xi32, #tpu.memory_space<hbm>>
      %dma_wait3A_67 = tpu.memref_squeeze %dma_wait3A_66 : memref<1x1x160x128xi32, #tpu.memory_space<hbm>> -> memref<160x128xi32, #tpu.memory_space<hbm>>
      %dma_wait3A_68 = arith.constant 0 : i32
      %dma_wait3A_69 = arith.constant 0 : i32
      %dma_wait3A_70 = tpu.memref_slice %arg3[%arg0, %arg1, %dma_wait3A_68, %dma_wait3A_69] : memref<2x16x160x128xi32, #tpu.memory_space<hbm>> -> memref<1x1x160x128xi32, #tpu.memory_space<hbm>>
      %dma_wait3A_71 = tpu.memref_squeeze %dma_wait3A_70 : memref<1x1x160x128xi32, #tpu.memory_space<hbm>> -> memref<160x128xi32, #tpu.memory_space<hbm>>
      tpu.wait_dma2 semaphore(%run_scoped3A : memref<!tpu.dma_semaphore, #tpu.memory_space<semaphore_mem>>) src(%dma_wait3A_71 : memref<160x128xi32, #tpu.memory_space<hbm>>) dst(%arg7 : memref<160x128xi32, #tpu.memory_space<vmem>>)
      tpu.yield
    }) : () -> ()
    "tpu.region"() ({
      %run_scoped3A = tpu.sem_alloc : memref<!tpu.dma_semaphore, #tpu.memory_space<semaphore_mem>>
      %dma_start3A_56 = arith.constant 0 : i32
      %dma_start3A_57 = arith.constant 0 : i32
      %dma_start3A_58 = tpu.memref_slice %arg4[%arg1, %dma_start3A_56, %dma_start3A_57] : memref<16x160x128xi32, #tpu.memory_space<hbm>> -> memref<1x160x128xi32, #tpu.memory_space<hbm>>
      %dma_start3A_59 = tpu.memref_squeeze %dma_start3A_58 : memref<1x160x128xi32, #tpu.memory_space<hbm>> -> memref<160x128xi32, #tpu.memory_space<hbm>>
      %dma_start3A_60 = arith.constant 0 : i32
      %dma_start3A_61 = arith.constant 0 : i32
      %dma_start3A_62 = tpu.memref_slice %arg4[%arg1, %dma_start3A_60, %dma_start3A_61] : memref<16x160x128xi32, #tpu.memory_space<hbm>> -> memref<1x160x128xi32, #tpu.memory_space<hbm>>
      %dma_start3A_63 = tpu.memref_squeeze %dma_start3A_62 : memref<1x160x128xi32, #tpu.memory_space<hbm>> -> memref<160x128xi32, #tpu.memory_space<hbm>>
      tpu.enqueue_dma source(%dma_start3A_63 : memref<160x128xi32, #tpu.memory_space<hbm>>) target(%arg8 : memref<160x128xi32, #tpu.memory_space<vmem>>) target_semaphore(%run_scoped3A : memref<!tpu.dma_semaphore, #tpu.memory_space<semaphore_mem>>)
      %dma_wait3A_64 = arith.constant 0 : i32
      %dma_wait3A_65 = arith.constant 0 : i32
      %dma_wait3A_66 = tpu.memref_slice %arg4[%arg1, %dma_wait3A_64, %dma_wait3A_65] : memref<16x160x128xi32, #tpu.memory_space<hbm>> -> memref<1x160x128xi32, #tpu.memory_space<hbm>>
      %dma_wait3A_67 = tpu.memref_squeeze %dma_wait3A_66 : memref<1x160x128xi32, #tpu.memory_space<hbm>> -> memref<160x128xi32, #tpu.memory_space<hbm>>
      %dma_wait3A_68 = arith.constant 0 : i32
      %dma_wait3A_69 = arith.constant 0 : i32
      %dma_wait3A_70 = tpu.memref_slice %arg4[%arg1, %dma_wait3A_68, %dma_wait3A_69] : memref<16x160x128xi32, #tpu.memory_space<hbm>> -> memref<1x160x128xi32, #tpu.memory_space<hbm>>
      %dma_wait3A_71 = tpu.memref_squeeze %dma_wait3A_70 : memref<1x160x128xi32, #tpu.memory_space<hbm>> -> memref<160x128xi32, #tpu.memory_space<hbm>>
      tpu.wait_dma2 semaphore(%run_scoped3A : memref<!tpu.dma_semaphore, #tpu.memory_space<semaphore_mem>>) src(%dma_wait3A_71 : memref<160x128xi32, #tpu.memory_space<hbm>>) dst(%arg8 : memref<160x128xi32, #tpu.memory_space<vmem>>)
      tpu.yield
    }) : () -> ()
    %mul3A = arith.constant 640 : i32
    %mul3A_0 = arith.muli %arg1, %mul3A : i32
    "tpu.region"() ({
      %run_scoped3A = tpu.sem_alloc : memref<!tpu.dma_semaphore, #tpu.memory_space<semaphore_mem>>
      %dma_start3A_56 = arith.constant 0 : i32
      %dma_start3A_57 = tpu.memref_slice %arg10[%mul3A_0, %dma_start3A_56] : memref<10240x64xf32, #tpu.memory_space<vmem_shared>> -> memref<640x64xf32, #tpu.memory_space<vmem_shared>>
      tpu.enqueue_dma source(%arg5 : memref<640x64xf32, #tpu.memory_space<hbm>>) target(%dma_start3A_57 : memref<640x64xf32, #tpu.memory_space<vmem_shared>>) target_semaphore(%run_scoped3A : memref<!tpu.dma_semaphore, #tpu.memory_space<semaphore_mem>>)
      %dma_wait3A_58 = arith.constant 0 : i32
      %dma_wait3A_59 = tpu.memref_slice %arg10[%mul3A_0, %dma_wait3A_58] : memref<10240x64xf32, #tpu.memory_space<vmem_shared>> -> memref<640x64xf32, #tpu.memory_space<vmem_shared>>
      tpu.wait_dma2 semaphore(%run_scoped3A : memref<!tpu.dma_semaphore, #tpu.memory_space<semaphore_mem>>) src(%arg5 : memref<640x64xf32, #tpu.memory_space<hbm>>) dst(%dma_wait3A_59 : memref<640x64xf32, #tpu.memory_space<vmem_shared>>)
      tpu.yield
    }) : () -> ()
    %barrier3A = arith.constant 0 : index
    tpu.barrier barrier_id(%barrier3A)
    %dma_start3A = arith.constant 0 : i32
    %dma_start3A_1 = arith.constant 0 : i32
    %dma_start3A_2 = arith.constant 0 : i32
    %dma_start3A_3 = arith.constant 0 : i32
    %dma_start3A_4 = tpu.memref_slice %arg9[%dma_start3A_1, %dma_start3A_2, %dma_start3A_3] : memref<4x128x64xf32, #tpu.memory_space<vmem>> -> memref<1x128x64xf32, #tpu.memory_space<vmem>>
    %dma_start3A_5 = tpu.memref_squeeze %dma_start3A_4 : memref<1x128x64xf32, #tpu.memory_space<vmem>> -> memref<128x64xf32, #tpu.memory_space<vmem>>
    %dma_start3A_6 = arith.constant 0 : i32
    %dma_start3A_7 = tpu.memref_slice %arg7[%dma_start3A, %dma_start3A_6] : memref<160x128xi32, #tpu.memory_space<vmem>> -> memref<1x128xi32, #tpu.memory_space<vmem>>
    %dma_start3A_8 = tpu.memref_squeeze %dma_start3A_7 : memref<1x128xi32, #tpu.memory_space<vmem>> -> memref<128xi32, #tpu.memory_space<vmem>>
    %dma_start3A_9 = arith.constant 0 : i32
    %dma_start3A_10 = arith.constant 0 : i32
    %dma_start3A_11 = tpu.memref_slice %arg2[%dma_start3A_9, %dma_start3A_10] : memref<20000x64xf32, #tpu.memory_space<hbm>> -> memref<20000x64xf32, #tpu.memory_space<hbm>>
    tpu.enqueue_indirect_dma source(%dma_start3A_11 : memref<20000x64xf32, #tpu.memory_space<hbm>>) target(%dma_start3A_5 : memref<128x64xf32, #tpu.memory_space<vmem>>) offsets(%dma_start3A_8 : memref<128xi32, #tpu.memory_space<vmem>>) semaphore(%arg11 : memref<!tpu.dma_semaphore, #tpu.memory_space<semaphore_mem>>)
    %dma_start3A_12 = arith.constant 1 : i32
    %dma_start3A_13 = arith.constant 1 : i32
    %dma_start3A_14 = arith.constant 0 : i32
    %dma_start3A_15 = arith.constant 0 : i32
    %dma_start3A_16 = tpu.memref_slice %arg9[%dma_start3A_13, %dma_start3A_14, %dma_start3A_15] : memref<4x128x64xf32, #tpu.memory_space<vmem>> -> memref<1x128x64xf32, #tpu.memory_space<vmem>>
    %dma_start3A_17 = tpu.memref_squeeze %dma_start3A_16 : memref<1x128x64xf32, #tpu.memory_space<vmem>> -> memref<128x64xf32, #tpu.memory_space<vmem>>
    %dma_start3A_18 = arith.constant 0 : i32
    %dma_start3A_19 = tpu.memref_slice %arg7[%dma_start3A_12, %dma_start3A_18] : memref<160x128xi32, #tpu.memory_space<vmem>> -> memref<1x128xi32, #tpu.memory_space<vmem>>
    %dma_start3A_20 = tpu.memref_squeeze %dma_start3A_19 : memref<1x128xi32, #tpu.memory_space<vmem>> -> memref<128xi32, #tpu.memory_space<vmem>>
    %dma_start3A_21 = arith.constant 0 : i32
    %dma_start3A_22 = arith.constant 0 : i32
    %dma_start3A_23 = tpu.memref_slice %arg2[%dma_start3A_21, %dma_start3A_22] : memref<20000x64xf32, #tpu.memory_space<hbm>> -> memref<20000x64xf32, #tpu.memory_space<hbm>>
    tpu.enqueue_indirect_dma source(%dma_start3A_23 : memref<20000x64xf32, #tpu.memory_space<hbm>>) target(%dma_start3A_17 : memref<128x64xf32, #tpu.memory_space<vmem>>) offsets(%dma_start3A_20 : memref<128xi32, #tpu.memory_space<vmem>>) semaphore(%arg12 : memref<!tpu.dma_semaphore, #tpu.memory_space<semaphore_mem>>)
    %scan3A = arith.constant 0 : i32
    %scan3A_24 = arith.constant 40 : i32
    %scan3A_25 = arith.addi %scan3A, %scan3A_24 : i32
    %scan3A_26 = arith.constant 1 : i32
    scf.for %scan3A_56 = %scan3A to %scan3A_25 step %scan3A_26  : i32 {
      %mul3A_57 = arith.constant 1 : i32
      %mul3A_58 = arith.muli %scan3A_56, %mul3A_57 : i32
      %add3A = arith.constant 0 : i32
      %add3A_59 = arith.addi %add3A, %mul3A_58 : i32
      %mul3A_60 = arith.constant 4 : i32
      %mul3A_61 = arith.muli %mul3A_60, %add3A_59 : i32
      %add3A_62 = arith.constant 0 : i32
      %add3A_63 = arith.addi %mul3A_61, %add3A_62 : i32
      %dma_wait3A_64 = arith.constant 0 : i32
      %dma_wait3A_65 = arith.constant 0 : i32
      %dma_wait3A_66 = arith.constant 0 : i32
      %dma_wait3A_67 = tpu.memref_slice %arg9[%dma_wait3A_64, %dma_wait3A_65, %dma_wait3A_66] : memref<4x128x64xf32, #tpu.memory_space<vmem>> -> memref<1x128x64xf32, #tpu.memory_space<vmem>>
      %dma_wait3A_68 = tpu.memref_squeeze %dma_wait3A_67 : memref<1x128x64xf32, #tpu.memory_space<vmem>> -> memref<128x64xf32, #tpu.memory_space<vmem>>
      %dma_wait3A_69 = arith.constant 0 : i32
      %dma_wait3A_70 = tpu.memref_slice %arg7[%add3A_63, %dma_wait3A_69] : memref<160x128xi32, #tpu.memory_space<vmem>> -> memref<1x128xi32, #tpu.memory_space<vmem>>
      %dma_wait3A_71 = tpu.memref_squeeze %dma_wait3A_70 : memref<1x128xi32, #tpu.memory_space<vmem>> -> memref<128xi32, #tpu.memory_space<vmem>>
      %dma_wait3A_72 = arith.constant 0 : i32
      %dma_wait3A_73 = arith.constant 0 : i32
      %dma_wait3A_74 = tpu.memref_slice %arg2[%dma_wait3A_72, %dma_wait3A_73] : memref<20000x64xf32, #tpu.memory_space<hbm>> -> memref<20000x64xf32, #tpu.memory_space<hbm>>
      tpu.wait_indirect_dma semaphore(%arg11 : memref<!tpu.dma_semaphore, #tpu.memory_space<semaphore_mem>>) src(%dma_wait3A_74 : memref<20000x64xf32, #tpu.memory_space<hbm>>) dst(%dma_wait3A_68 : memref<128x64xf32, #tpu.memory_space<vmem>>)
      %dma_start3A_75 = arith.constant 0 : i32
      %dma_start3A_76 = arith.constant 0 : i32
      %dma_start3A_77 = arith.constant 0 : i32
      %dma_start3A_78 = tpu.memref_slice %arg9[%dma_start3A_75, %dma_start3A_76, %dma_start3A_77] : memref<4x128x64xf32, #tpu.memory_space<vmem>> -> memref<1x128x64xf32, #tpu.memory_space<vmem>>
      %dma_start3A_79 = tpu.memref_squeeze %dma_start3A_78 : memref<1x128x64xf32, #tpu.memory_space<vmem>> -> memref<128x64xf32, #tpu.memory_space<vmem>>
      %dma_start3A_80 = arith.constant 0 : i32
      %dma_start3A_81 = tpu.memref_slice %arg8[%add3A_63, %dma_start3A_80] : memref<160x128xi32, #tpu.memory_space<vmem>> -> memref<1x128xi32, #tpu.memory_space<vmem>>
      %dma_start3A_82 = tpu.memref_squeeze %dma_start3A_81 : memref<1x128xi32, #tpu.memory_space<vmem>> -> memref<128xi32, #tpu.memory_space<vmem>>
      %dma_start3A_83 = arith.constant 0 : i32
      %dma_start3A_84 = arith.constant 0 : i32
      %dma_start3A_85 = tpu.memref_slice %arg10[%dma_start3A_83, %dma_start3A_84] : memref<10240x64xf32, #tpu.memory_space<vmem_shared>> -> memref<10240x64xf32, #tpu.memory_space<vmem_shared>>
      tpu.enqueue_indirect_dma source(%dma_start3A_79 : memref<128x64xf32, #tpu.memory_space<vmem>>) target(%dma_start3A_85 : memref<10240x64xf32, #tpu.memory_space<vmem_shared>>) offsets(%dma_start3A_82 : memref<128xi32, #tpu.memory_space<vmem>>) semaphore(%arg15 : memref<!tpu.dma_semaphore, #tpu.memory_space<semaphore_mem>>) {add = true}
      %ge3A = arith.constant 2 : i32
      %ge3A_86 = arith.cmpi sge, %add3A_63, %ge3A : i32
      %convert_element_type3A = arith.extui %ge3A_86 : i1 to i32
      %cond3A = arith.constant 0 : i32
      %cond3A_87 = arith.cmpi ne, %convert_element_type3A, %cond3A : i32
      scf.if %cond3A_87 {
        %dma_wait3A_200 = arith.constant 2 : i32
        %dma_wait3A_201 = arith.constant 0 : i32
        %dma_wait3A_202 = arith.constant 0 : i32
        %dma_wait3A_203 = tpu.memref_slice %arg9[%dma_wait3A_200, %dma_wait3A_201, %dma_wait3A_202] : memref<4x128x64xf32, #tpu.memory_space<vmem>> -> memref<1x128x64xf32, #tpu.memory_space<vmem>>
        %dma_wait3A_204 = tpu.memref_squeeze %dma_wait3A_203 : memref<1x128x64xf32, #tpu.memory_space<vmem>> -> memref<128x64xf32, #tpu.memory_space<vmem>>
        %dma_wait3A_205 = arith.constant 0 : i32
        %dma_wait3A_206 = tpu.memref_slice %arg8[%add3A_63, %dma_wait3A_205] : memref<160x128xi32, #tpu.memory_space<vmem>> -> memref<1x128xi32, #tpu.memory_space<vmem>>
        %dma_wait3A_207 = tpu.memref_squeeze %dma_wait3A_206 : memref<1x128xi32, #tpu.memory_space<vmem>> -> memref<128xi32, #tpu.memory_space<vmem>>
        %dma_wait3A_208 = arith.constant 0 : i32
        %dma_wait3A_209 = arith.constant 0 : i32
        %dma_wait3A_210 = tpu.memref_slice %arg10[%dma_wait3A_208, %dma_wait3A_209] : memref<10240x64xf32, #tpu.memory_space<vmem_shared>> -> memref<10240x64xf32, #tpu.memory_space<vmem_shared>>
        tpu.wait_indirect_dma semaphore(%arg17 : memref<!tpu.dma_semaphore, #tpu.memory_space<semaphore_mem>>) src(%dma_wait3A_204 : memref<128x64xf32, #tpu.memory_space<vmem>>) dst(%dma_wait3A_210 : memref<10240x64xf32, #tpu.memory_space<vmem_shared>>)
      } else {
      }
      %lt3A = arith.constant 158 : i32
      %lt3A_88 = arith.cmpi slt, %add3A_63, %lt3A : i32
      %convert_element_type3A_89 = arith.extui %lt3A_88 : i1 to i32
      %cond3A_90 = arith.constant 0 : i32
      %cond3A_91 = arith.cmpi ne, %convert_element_type3A_89, %cond3A_90 : i32
      scf.if %cond3A_91 {
        %add3A_200 = arith.constant 2 : i32
        %add3A_201 = arith.addi %add3A_63, %add3A_200 : i32
        %dma_start3A_202 = arith.constant 2 : i32
        %dma_start3A_203 = arith.constant 0 : i32
        %dma_start3A_204 = arith.constant 0 : i32
        %dma_start3A_205 = tpu.memref_slice %arg9[%dma_start3A_202, %dma_start3A_203, %dma_start3A_204] : memref<4x128x64xf32, #tpu.memory_space<vmem>> -> memref<1x128x64xf32, #tpu.memory_space<vmem>>
        %dma_start3A_206 = tpu.memref_squeeze %dma_start3A_205 : memref<1x128x64xf32, #tpu.memory_space<vmem>> -> memref<128x64xf32, #tpu.memory_space<vmem>>
        %dma_start3A_207 = arith.constant 0 : i32
        %dma_start3A_208 = tpu.memref_slice %arg7[%add3A_201, %dma_start3A_207] : memref<160x128xi32, #tpu.memory_space<vmem>> -> memref<1x128xi32, #tpu.memory_space<vmem>>
        %dma_start3A_209 = tpu.memref_squeeze %dma_start3A_208 : memref<1x128xi32, #tpu.memory_space<vmem>> -> memref<128xi32, #tpu.memory_space<vmem>>
        %dma_start3A_210 = arith.constant 0 : i32
        %dma_start3A_211 = arith.constant 0 : i32
        %dma_start3A_212 = tpu.memref_slice %arg2[%dma_start3A_210, %dma_start3A_211] : memref<20000x64xf32, #tpu.memory_space<hbm>> -> memref<20000x64xf32, #tpu.memory_space<hbm>>
        tpu.enqueue_indirect_dma source(%dma_start3A_212 : memref<20000x64xf32, #tpu.memory_space<hbm>>) target(%dma_start3A_206 : memref<128x64xf32, #tpu.memory_space<vmem>>) offsets(%dma_start3A_209 : memref<128xi32, #tpu.memory_space<vmem>>) semaphore(%arg13 : memref<!tpu.dma_semaphore, #tpu.memory_space<semaphore_mem>>)
      } else {
      }
      %mul3A_92 = arith.constant 4 : i32
      %mul3A_93 = arith.muli %mul3A_92, %add3A_59 : i32
      %add3A_94 = arith.constant 1 : i32
      %add3A_95 = arith.addi %mul3A_93, %add3A_94 : i32
      %dma_wait3A_96 = arith.constant 1 : i32
      %dma_wait3A_97 = arith.constant 0 : i32
      %dma_wait3A_98 = arith.constant 0 : i32
      %dma_wait3A_99 = tpu.memref_slice %arg9[%dma_wait3A_96, %dma_wait3A_97, %dma_wait3A_98] : memref<4x128x64xf32, #tpu.memory_space<vmem>> -> memref<1x128x64xf32, #tpu.memory_space<vmem>>
      %dma_wait3A_100 = tpu.memref_squeeze %dma_wait3A_99 : memref<1x128x64xf32, #tpu.memory_space<vmem>> -> memref<128x64xf32, #tpu.memory_space<vmem>>
      %dma_wait3A_101 = arith.constant 0 : i32
      %dma_wait3A_102 = tpu.memref_slice %arg7[%add3A_95, %dma_wait3A_101] : memref<160x128xi32, #tpu.memory_space<vmem>> -> memref<1x128xi32, #tpu.memory_space<vmem>>
      %dma_wait3A_103 = tpu.memref_squeeze %dma_wait3A_102 : memref<1x128xi32, #tpu.memory_space<vmem>> -> memref<128xi32, #tpu.memory_space<vmem>>
      %dma_wait3A_104 = arith.constant 0 : i32
      %dma_wait3A_105 = arith.constant 0 : i32
      %dma_wait3A_106 = tpu.memref_slice %arg2[%dma_wait3A_104, %dma_wait3A_105] : memref<20000x64xf32, #tpu.memory_space<hbm>> -> memref<20000x64xf32, #tpu.memory_space<hbm>>
      tpu.wait_indirect_dma semaphore(%arg12 : memref<!tpu.dma_semaphore, #tpu.memory_space<semaphore_mem>>) src(%dma_wait3A_106 : memref<20000x64xf32, #tpu.memory_space<hbm>>) dst(%dma_wait3A_100 : memref<128x64xf32, #tpu.memory_space<vmem>>)
      %dma_start3A_107 = arith.constant 1 : i32
      %dma_start3A_108 = arith.constant 0 : i32
      %dma_start3A_109 = arith.constant 0 : i32
      %dma_start3A_110 = tpu.memref_slice %arg9[%dma_start3A_107, %dma_start3A_108, %dma_start3A_109] : memref<4x128x64xf32, #tpu.memory_space<vmem>> -> memref<1x128x64xf32, #tpu.memory_space<vmem>>
      %dma_start3A_111 = tpu.memref_squeeze %dma_start3A_110 : memref<1x128x64xf32, #tpu.memory_space<vmem>> -> memref<128x64xf32, #tpu.memory_space<vmem>>
      %dma_start3A_112 = arith.constant 0 : i32
      %dma_start3A_113 = tpu.memref_slice %arg8[%add3A_95, %dma_start3A_112] : memref<160x128xi32, #tpu.memory_space<vmem>> -> memref<1x128xi32, #tpu.memory_space<vmem>>
      %dma_start3A_114 = tpu.memref_squeeze %dma_start3A_113 : memref<1x128xi32, #tpu.memory_space<vmem>> -> memref<128xi32, #tpu.memory_space<vmem>>
      %dma_start3A_115 = arith.constant 0 : i32
      %dma_start3A_116 = arith.constant 0 : i32
      %dma_start3A_117 = tpu.memref_slice %arg10[%dma_start3A_115, %dma_start3A_116] : memref<10240x64xf32, #tpu.memory_space<vmem_shared>> -> memref<10240x64xf32, #tpu.memory_space<vmem_shared>>
      tpu.enqueue_indirect_dma source(%dma_start3A_111 : memref<128x64xf32, #tpu.memory_space<vmem>>) target(%dma_start3A_117 : memref<10240x64xf32, #tpu.memory_space<vmem_shared>>) offsets(%dma_start3A_114 : memref<128xi32, #tpu.memory_space<vmem>>) semaphore(%arg16 : memref<!tpu.dma_semaphore, #tpu.memory_space<semaphore_mem>>) {add = true}
      %ge3A_118 = arith.constant 2 : i32
      %ge3A_119 = arith.cmpi sge, %add3A_95, %ge3A_118 : i32
      %convert_element_type3A_120 = arith.extui %ge3A_119 : i1 to i32
      %cond3A_121 = arith.constant 0 : i32
      %cond3A_122 = arith.cmpi ne, %convert_element_type3A_120, %cond3A_121 : i32
      scf.if %cond3A_122 {
        %dma_wait3A_200 = arith.constant 3 : i32
        %dma_wait3A_201 = arith.constant 0 : i32
        %dma_wait3A_202 = arith.constant 0 : i32
        %dma_wait3A_203 = tpu.memref_slice %arg9[%dma_wait3A_200, %dma_wait3A_201, %dma_wait3A_202] : memref<4x128x64xf32, #tpu.memory_space<vmem>> -> memref<1x128x64xf32, #tpu.memory_space<vmem>>
        %dma_wait3A_204 = tpu.memref_squeeze %dma_wait3A_203 : memref<1x128x64xf32, #tpu.memory_space<vmem>> -> memref<128x64xf32, #tpu.memory_space<vmem>>
        %dma_wait3A_205 = arith.constant 0 : i32
        %dma_wait3A_206 = tpu.memref_slice %arg8[%add3A_95, %dma_wait3A_205] : memref<160x128xi32, #tpu.memory_space<vmem>> -> memref<1x128xi32, #tpu.memory_space<vmem>>
        %dma_wait3A_207 = tpu.memref_squeeze %dma_wait3A_206 : memref<1x128xi32, #tpu.memory_space<vmem>> -> memref<128xi32, #tpu.memory_space<vmem>>
        %dma_wait3A_208 = arith.constant 0 : i32
        %dma_wait3A_209 = arith.constant 0 : i32
        %dma_wait3A_210 = tpu.memref_slice %arg10[%dma_wait3A_208, %dma_wait3A_209] : memref<10240x64xf32, #tpu.memory_space<vmem_shared>> -> memref<10240x64xf32, #tpu.memory_space<vmem_shared>>
        tpu.wait_indirect_dma semaphore(%arg18 : memref<!tpu.dma_semaphore, #tpu.memory_space<semaphore_mem>>) src(%dma_wait3A_204 : memref<128x64xf32, #tpu.memory_space<vmem>>) dst(%dma_wait3A_210 : memref<10240x64xf32, #tpu.memory_space<vmem_shared>>)
      } else {
      }
      %lt3A_123 = arith.constant 158 : i32
      %lt3A_124 = arith.cmpi slt, %add3A_95, %lt3A_123 : i32
      %convert_element_type3A_125 = arith.extui %lt3A_124 : i1 to i32
      %cond3A_126 = arith.constant 0 : i32
      %cond3A_127 = arith.cmpi ne, %convert_element_type3A_125, %cond3A_126 : i32
      scf.if %cond3A_127 {
        %add3A_200 = arith.constant 2 : i32
        %add3A_201 = arith.addi %add3A_95, %add3A_200 : i32
        %dma_start3A_202 = arith.constant 3 : i32
        %dma_start3A_203 = arith.constant 0 : i32
        %dma_start3A_204 = arith.constant 0 : i32
        %dma_start3A_205 = tpu.memref_slice %arg9[%dma_start3A_202, %dma_start3A_203, %dma_start3A_204] : memref<4x128x64xf32, #tpu.memory_space<vmem>> -> memref<1x128x64xf32, #tpu.memory_space<vmem>>
        %dma_start3A_206 = tpu.memref_squeeze %dma_start3A_205 : memref<1x128x64xf32, #tpu.memory_space<vmem>> -> memref<128x64xf32, #tpu.memory_space<vmem>>
        %dma_start3A_207 = arith.constant 0 : i32
        %dma_start3A_208 = tpu.memref_slice %arg7[%add3A_201, %dma_start3A_207] : memref<160x128xi32, #tpu.memory_space<vmem>> -> memref<1x128xi32, #tpu.memory_space<vmem>>
        %dma_start3A_209 = tpu.memref_squeeze %dma_start3A_208 : memref<1x128xi32, #tpu.memory_space<vmem>> -> memref<128xi32, #tpu.memory_space<vmem>>
        %dma_start3A_210 = arith.constant 0 : i32
        %dma_start3A_211 = arith.constant 0 : i32
        %dma_start3A_212 = tpu.memref_slice %arg2[%dma_start3A_210, %dma_start3A_211] : memref<20000x64xf32, #tpu.memory_space<hbm>> -> memref<20000x64xf32, #tpu.memory_space<hbm>>
        tpu.enqueue_indirect_dma source(%dma_start3A_212 : memref<20000x64xf32, #tpu.memory_space<hbm>>) target(%dma_start3A_206 : memref<128x64xf32, #tpu.memory_space<vmem>>) offsets(%dma_start3A_209 : memref<128xi32, #tpu.memory_space<vmem>>) semaphore(%arg14 : memref<!tpu.dma_semaphore, #tpu.memory_space<semaphore_mem>>)
      } else {
      }
      %mul3A_128 = arith.constant 4 : i32
      %mul3A_129 = arith.muli %mul3A_128, %add3A_59 : i32
      %add3A_130 = arith.constant 2 : i32
      %add3A_131 = arith.addi %mul3A_129, %add3A_130 : i32
      %dma_wait3A_132 = arith.constant 2 : i32
      %dma_wait3A_133 = arith.constant 0 : i32
      %dma_wait3A_134 = arith.constant 0 : i32
      %dma_wait3A_135 = tpu.memref_slice %arg9[%dma_wait3A_132, %dma_wait3A_133, %dma_wait3A_134] : memref<4x128x64xf32, #tpu.memory_space<vmem>> -> memref<1x128x64xf32, #tpu.memory_space<vmem>>
      %dma_wait3A_136 = tpu.memref_squeeze %dma_wait3A_135 : memref<1x128x64xf32, #tpu.memory_space<vmem>> -> memref<128x64xf32, #tpu.memory_space<vmem>>
      %dma_wait3A_137 = arith.constant 0 : i32
      %dma_wait3A_138 = tpu.memref_slice %arg7[%add3A_131, %dma_wait3A_137] : memref<160x128xi32, #tpu.memory_space<vmem>> -> memref<1x128xi32, #tpu.memory_space<vmem>>
      %dma_wait3A_139 = tpu.memref_squeeze %dma_wait3A_138 : memref<1x128xi32, #tpu.memory_space<vmem>> -> memref<128xi32, #tpu.memory_space<vmem>>
      %dma_wait3A_140 = arith.constant 0 : i32
      %dma_wait3A_141 = arith.constant 0 : i32
      %dma_wait3A_142 = tpu.memref_slice %arg2[%dma_wait3A_140, %dma_wait3A_141] : memref<20000x64xf32, #tpu.memory_space<hbm>> -> memref<20000x64xf32, #tpu.memory_space<hbm>>
      tpu.wait_indirect_dma semaphore(%arg13 : memref<!tpu.dma_semaphore, #tpu.memory_space<semaphore_mem>>) src(%dma_wait3A_142 : memref<20000x64xf32, #tpu.memory_space<hbm>>) dst(%dma_wait3A_136 : memref<128x64xf32, #tpu.memory_space<vmem>>)
      %dma_start3A_143 = arith.constant 2 : i32
      %dma_start3A_144 = arith.constant 0 : i32
      %dma_start3A_145 = arith.constant 0 : i32
      %dma_start3A_146 = tpu.memref_slice %arg9[%dma_start3A_143, %dma_start3A_144, %dma_start3A_145] : memref<4x128x64xf32, #tpu.memory_space<vmem>> -> memref<1x128x64xf32, #tpu.memory_space<vmem>>
      %dma_start3A_147 = tpu.memref_squeeze %dma_start3A_146 : memref<1x128x64xf32, #tpu.memory_space<vmem>> -> memref<128x64xf32, #tpu.memory_space<vmem>>
      %dma_start3A_148 = arith.constant 0 : i32
      %dma_start3A_149 = tpu.memref_slice %arg8[%add3A_131, %dma_start3A_148] : memref<160x128xi32, #tpu.memory_space<vmem>> -> memref<1x128xi32, #tpu.memory_space<vmem>>
      %dma_start3A_150 = tpu.memref_squeeze %dma_start3A_149 : memref<1x128xi32, #tpu.memory_space<vmem>> -> memref<128xi32, #tpu.memory_space<vmem>>
      %dma_start3A_151 = arith.constant 0 : i32
      %dma_start3A_152 = arith.constant 0 : i32
      %dma_start3A_153 = tpu.memref_slice %arg10[%dma_start3A_151, %dma_start3A_152] : memref<10240x64xf32, #tpu.memory_space<vmem_shared>> -> memref<10240x64xf32, #tpu.memory_space<vmem_shared>>
      tpu.enqueue_indirect_dma source(%dma_start3A_147 : memref<128x64xf32, #tpu.memory_space<vmem>>) target(%dma_start3A_153 : memref<10240x64xf32, #tpu.memory_space<vmem_shared>>) offsets(%dma_start3A_150 : memref<128xi32, #tpu.memory_space<vmem>>) semaphore(%arg17 : memref<!tpu.dma_semaphore, #tpu.memory_space<semaphore_mem>>) {add = true}
      %ge3A_154 = arith.constant 2 : i32
      %ge3A_155 = arith.cmpi sge, %add3A_131, %ge3A_154 : i32
      %convert_element_type3A_156 = arith.extui %ge3A_155 : i1 to i32
      %cond3A_157 = arith.constant 0 : i32
      %cond3A_158 = arith.cmpi ne, %convert_element_type3A_156, %cond3A_157 : i32
      scf.if %cond3A_158 {
        %dma_wait3A_200 = arith.constant 0 : i32
        %dma_wait3A_201 = arith.constant 0 : i32
        %dma_wait3A_202 = arith.constant 0 : i32
        %dma_wait3A_203 = tpu.memref_slice %arg9[%dma_wait3A_200, %dma_wait3A_201, %dma_wait3A_202] : memref<4x128x64xf32, #tpu.memory_space<vmem>> -> memref<1x128x64xf32, #tpu.memory_space<vmem>>
        %dma_wait3A_204 = tpu.memref_squeeze %dma_wait3A_203 : memref<1x128x64xf32, #tpu.memory_space<vmem>> -> memref<128x64xf32, #tpu.memory_space<vmem>>
        %dma_wait3A_205 = arith.constant 0 : i32
        %dma_wait3A_206 = tpu.memref_slice %arg8[%add3A_131, %dma_wait3A_205] : memref<160x128xi32, #tpu.memory_space<vmem>> -> memref<1x128xi32, #tpu.memory_space<vmem>>
        %dma_wait3A_207 = tpu.memref_squeeze %dma_wait3A_206 : memref<1x128xi32, #tpu.memory_space<vmem>> -> memref<128xi32, #tpu.memory_space<vmem>>
        %dma_wait3A_208 = arith.constant 0 : i32
        %dma_wait3A_209 = arith.constant 0 : i32
        %dma_wait3A_210 = tpu.memref_slice %arg10[%dma_wait3A_208, %dma_wait3A_209] : memref<10240x64xf32, #tpu.memory_space<vmem_shared>> -> memref<10240x64xf32, #tpu.memory_space<vmem_shared>>
        tpu.wait_indirect_dma semaphore(%arg15 : memref<!tpu.dma_semaphore, #tpu.memory_space<semaphore_mem>>) src(%dma_wait3A_204 : memref<128x64xf32, #tpu.memory_space<vmem>>) dst(%dma_wait3A_210 : memref<10240x64xf32, #tpu.memory_space<vmem_shared>>)
      } else {
      }
      %lt3A_159 = arith.constant 158 : i32
      %lt3A_160 = arith.cmpi slt, %add3A_131, %lt3A_159 : i32
      %convert_element_type3A_161 = arith.extui %lt3A_160 : i1 to i32
      %cond3A_162 = arith.constant 0 : i32
      %cond3A_163 = arith.cmpi ne, %convert_element_type3A_161, %cond3A_162 : i32
      scf.if %cond3A_163 {
        %add3A_200 = arith.constant 2 : i32
        %add3A_201 = arith.addi %add3A_131, %add3A_200 : i32
        %dma_start3A_202 = arith.constant 0 : i32
        %dma_start3A_203 = arith.constant 0 : i32
        %dma_start3A_204 = arith.constant 0 : i32
        %dma_start3A_205 = tpu.memref_slice %arg9[%dma_start3A_202, %dma_start3A_203, %dma_start3A_204] : memref<4x128x64xf32, #tpu.memory_space<vmem>> -> memref<1x128x64xf32, #tpu.memory_space<vmem>>
        %dma_start3A_206 = tpu.memref_squeeze %dma_start3A_205 : memref<1x128x64xf32, #tpu.memory_space<vmem>> -> memref<128x64xf32, #tpu.memory_space<vmem>>
        %dma_start3A_207 = arith.constant 0 : i32
        %dma_start3A_208 = tpu.memref_slice %arg7[%add3A_201, %dma_start3A_207] : memref<160x128xi32, #tpu.memory_space<vmem>> -> memref<1x128xi32, #tpu.memory_space<vmem>>
        %dma_start3A_209 = tpu.memref_squeeze %dma_start3A_208 : memref<1x128xi32, #tpu.memory_space<vmem>> -> memref<128xi32, #tpu.memory_space<vmem>>
        %dma_start3A_210 = arith.constant 0 : i32
        %dma_start3A_211 = arith.constant 0 : i32
        %dma_start3A_212 = tpu.memref_slice %arg2[%dma_start3A_210, %dma_start3A_211] : memref<20000x64xf32, #tpu.memory_space<hbm>> -> memref<20000x64xf32, #tpu.memory_space<hbm>>
        tpu.enqueue_indirect_dma source(%dma_start3A_212 : memref<20000x64xf32, #tpu.memory_space<hbm>>) target(%dma_start3A_206 : memref<128x64xf32, #tpu.memory_space<vmem>>) offsets(%dma_start3A_209 : memref<128xi32, #tpu.memory_space<vmem>>) semaphore(%arg11 : memref<!tpu.dma_semaphore, #tpu.memory_space<semaphore_mem>>)
      } else {
      }
      %mul3A_164 = arith.constant 4 : i32
      %mul3A_165 = arith.muli %mul3A_164, %add3A_59 : i32
      %add3A_166 = arith.constant 3 : i32
      %add3A_167 = arith.addi %mul3A_165, %add3A_166 : i32
      %dma_wait3A_168 = arith.constant 3 : i32
      %dma_wait3A_169 = arith.constant 0 : i32
      %dma_wait3A_170 = arith.constant 0 : i32
      %dma_wait3A_171 = tpu.memref_slice %arg9[%dma_wait3A_168, %dma_wait3A_169, %dma_wait3A_170] : memref<4x128x64xf32, #tpu.memory_space<vmem>> -> memref<1x128x64xf32, #tpu.memory_space<vmem>>
      %dma_wait3A_172 = tpu.memref_squeeze %dma_wait3A_171 : memref<1x128x64xf32, #tpu.memory_space<vmem>> -> memref<128x64xf32, #tpu.memory_space<vmem>>
      %dma_wait3A_173 = arith.constant 0 : i32
      %dma_wait3A_174 = tpu.memref_slice %arg7[%add3A_167, %dma_wait3A_173] : memref<160x128xi32, #tpu.memory_space<vmem>> -> memref<1x128xi32, #tpu.memory_space<vmem>>
      %dma_wait3A_175 = tpu.memref_squeeze %dma_wait3A_174 : memref<1x128xi32, #tpu.memory_space<vmem>> -> memref<128xi32, #tpu.memory_space<vmem>>
      %dma_wait3A_176 = arith.constant 0 : i32
      %dma_wait3A_177 = arith.constant 0 : i32
      %dma_wait3A_178 = tpu.memref_slice %arg2[%dma_wait3A_176, %dma_wait3A_177] : memref<20000x64xf32, #tpu.memory_space<hbm>> -> memref<20000x64xf32, #tpu.memory_space<hbm>>
      tpu.wait_indirect_dma semaphore(%arg14 : memref<!tpu.dma_semaphore, #tpu.memory_space<semaphore_mem>>) src(%dma_wait3A_178 : memref<20000x64xf32, #tpu.memory_space<hbm>>) dst(%dma_wait3A_172 : memref<128x64xf32, #tpu.memory_space<vmem>>)
      %dma_start3A_179 = arith.constant 3 : i32
      %dma_start3A_180 = arith.constant 0 : i32
      %dma_start3A_181 = arith.constant 0 : i32
      %dma_start3A_182 = tpu.memref_slice %arg9[%dma_start3A_179, %dma_start3A_180, %dma_start3A_181] : memref<4x128x64xf32, #tpu.memory_space<vmem>> -> memref<1x128x64xf32, #tpu.memory_space<vmem>>
      %dma_start3A_183 = tpu.memref_squeeze %dma_start3A_182 : memref<1x128x64xf32, #tpu.memory_space<vmem>> -> memref<128x64xf32, #tpu.memory_space<vmem>>
      %dma_start3A_184 = arith.constant 0 : i32
      %dma_start3A_185 = tpu.memref_slice %arg8[%add3A_167, %dma_start3A_184] : memref<160x128xi32, #tpu.memory_space<vmem>> -> memref<1x128xi32, #tpu.memory_space<vmem>>
      %dma_start3A_186 = tpu.memref_squeeze %dma_start3A_185 : memref<1x128xi32, #tpu.memory_space<vmem>> -> memref<128xi32, #tpu.memory_space<vmem>>
      %dma_start3A_187 = arith.constant 0 : i32
      %dma_start3A_188 = arith.constant 0 : i32
      %dma_start3A_189 = tpu.memref_slice %arg10[%dma_start3A_187, %dma_start3A_188] : memref<10240x64xf32, #tpu.memory_space<vmem_shared>> -> memref<10240x64xf32, #tpu.memory_space<vmem_shared>>
      tpu.enqueue_indirect_dma source(%dma_start3A_183 : memref<128x64xf32, #tpu.memory_space<vmem>>) target(%dma_start3A_189 : memref<10240x64xf32, #tpu.memory_space<vmem_shared>>) offsets(%dma_start3A_186 : memref<128xi32, #tpu.memory_space<vmem>>) semaphore(%arg18 : memref<!tpu.dma_semaphore, #tpu.memory_space<semaphore_mem>>) {add = true}
      %ge3A_190 = arith.constant 2 : i32
      %ge3A_191 = arith.cmpi sge, %add3A_167, %ge3A_190 : i32
      %convert_element_type3A_192 = arith.extui %ge3A_191 : i1 to i32
      %cond3A_193 = arith.constant 0 : i32
      %cond3A_194 = arith.cmpi ne, %convert_element_type3A_192, %cond3A_193 : i32
      scf.if %cond3A_194 {
        %dma_wait3A_200 = arith.constant 1 : i32
        %dma_wait3A_201 = arith.constant 0 : i32
        %dma_wait3A_202 = arith.constant 0 : i32
        %dma_wait3A_203 = tpu.memref_slice %arg9[%dma_wait3A_200, %dma_wait3A_201, %dma_wait3A_202] : memref<4x128x64xf32, #tpu.memory_space<vmem>> -> memref<1x128x64xf32, #tpu.memory_space<vmem>>
        %dma_wait3A_204 = tpu.memref_squeeze %dma_wait3A_203 : memref<1x128x64xf32, #tpu.memory_space<vmem>> -> memref<128x64xf32, #tpu.memory_space<vmem>>
        %dma_wait3A_205 = arith.constant 0 : i32
        %dma_wait3A_206 = tpu.memref_slice %arg8[%add3A_167, %dma_wait3A_205] : memref<160x128xi32, #tpu.memory_space<vmem>> -> memref<1x128xi32, #tpu.memory_space<vmem>>
        %dma_wait3A_207 = tpu.memref_squeeze %dma_wait3A_206 : memref<1x128xi32, #tpu.memory_space<vmem>> -> memref<128xi32, #tpu.memory_space<vmem>>
        %dma_wait3A_208 = arith.constant 0 : i32
        %dma_wait3A_209 = arith.constant 0 : i32
        %dma_wait3A_210 = tpu.memref_slice %arg10[%dma_wait3A_208, %dma_wait3A_209] : memref<10240x64xf32, #tpu.memory_space<vmem_shared>> -> memref<10240x64xf32, #tpu.memory_space<vmem_shared>>
        tpu.wait_indirect_dma semaphore(%arg16 : memref<!tpu.dma_semaphore, #tpu.memory_space<semaphore_mem>>) src(%dma_wait3A_204 : memref<128x64xf32, #tpu.memory_space<vmem>>) dst(%dma_wait3A_210 : memref<10240x64xf32, #tpu.memory_space<vmem_shared>>)
      } else {
      }
      %lt3A_195 = arith.constant 158 : i32
      %lt3A_196 = arith.cmpi slt, %add3A_167, %lt3A_195 : i32
      %convert_element_type3A_197 = arith.extui %lt3A_196 : i1 to i32
      %cond3A_198 = arith.constant 0 : i32
      %cond3A_199 = arith.cmpi ne, %convert_element_type3A_197, %cond3A_198 : i32
      scf.if %cond3A_199 {
        %add3A_200 = arith.constant 2 : i32
        %add3A_201 = arith.addi %add3A_167, %add3A_200 : i32
        %dma_start3A_202 = arith.constant 1 : i32
        %dma_start3A_203 = arith.constant 0 : i32
        %dma_start3A_204 = arith.constant 0 : i32
        %dma_start3A_205 = tpu.memref_slice %arg9[%dma_start3A_202, %dma_start3A_203, %dma_start3A_204] : memref<4x128x64xf32, #tpu.memory_space<vmem>> -> memref<1x128x64xf32, #tpu.memory_space<vmem>>
        %dma_start3A_206 = tpu.memref_squeeze %dma_start3A_205 : memref<1x128x64xf32, #tpu.memory_space<vmem>> -> memref<128x64xf32, #tpu.memory_space<vmem>>
        %dma_start3A_207 = arith.constant 0 : i32
        %dma_start3A_208 = tpu.memref_slice %arg7[%add3A_201, %dma_start3A_207] : memref<160x128xi32, #tpu.memory_space<vmem>> -> memref<1x128xi32, #tpu.memory_space<vmem>>
        %dma_start3A_209 = tpu.memref_squeeze %dma_start3A_208 : memref<1x128xi32, #tpu.memory_space<vmem>> -> memref<128xi32, #tpu.memory_space<vmem>>
        %dma_start3A_210 = arith.constant 0 : i32
        %dma_start3A_211 = arith.constant 0 : i32
        %dma_start3A_212 = tpu.memref_slice %arg2[%dma_start3A_210, %dma_start3A_211] : memref<20000x64xf32, #tpu.memory_space<hbm>> -> memref<20000x64xf32, #tpu.memory_space<hbm>>
        tpu.enqueue_indirect_dma source(%dma_start3A_212 : memref<20000x64xf32, #tpu.memory_space<hbm>>) target(%dma_start3A_206 : memref<128x64xf32, #tpu.memory_space<vmem>>) offsets(%dma_start3A_209 : memref<128xi32, #tpu.memory_space<vmem>>) semaphore(%arg12 : memref<!tpu.dma_semaphore, #tpu.memory_space<semaphore_mem>>)
      } else {
      }
    }
    %scan3A_27 = arith.constant 40 : i32
    %dma_wait3A = arith.constant 2 : i32
    %dma_wait3A_28 = arith.constant 0 : i32
    %dma_wait3A_29 = arith.constant 0 : i32
    %dma_wait3A_30 = arith.constant 0 : i32
    %dma_wait3A_31 = tpu.memref_slice %arg9[%dma_wait3A, %dma_wait3A_29, %dma_wait3A_30] : memref<4x128x64xf32, #tpu.memory_space<vmem>> -> memref<1x128x64xf32, #tpu.memory_space<vmem>>
    %dma_wait3A_32 = tpu.memref_squeeze %dma_wait3A_31 : memref<1x128x64xf32, #tpu.memory_space<vmem>> -> memref<128x64xf32, #tpu.memory_space<vmem>>
    %dma_wait3A_33 = arith.constant 0 : i32
    %dma_wait3A_34 = tpu.memref_slice %arg8[%dma_wait3A_28, %dma_wait3A_33] : memref<160x128xi32, #tpu.memory_space<vmem>> -> memref<1x128xi32, #tpu.memory_space<vmem>>
    %dma_wait3A_35 = tpu.memref_squeeze %dma_wait3A_34 : memref<1x128xi32, #tpu.memory_space<vmem>> -> memref<128xi32, #tpu.memory_space<vmem>>
    %dma_wait3A_36 = arith.constant 0 : i32
    %dma_wait3A_37 = arith.constant 0 : i32
    %dma_wait3A_38 = tpu.memref_slice %arg10[%dma_wait3A_36, %dma_wait3A_37] : memref<10240x64xf32, #tpu.memory_space<vmem_shared>> -> memref<10240x64xf32, #tpu.memory_space<vmem_shared>>
    tpu.wait_indirect_dma semaphore(%arg17 : memref<!tpu.dma_semaphore, #tpu.memory_space<semaphore_mem>>) src(%dma_wait3A_32 : memref<128x64xf32, #tpu.memory_space<vmem>>) dst(%dma_wait3A_38 : memref<10240x64xf32, #tpu.memory_space<vmem_shared>>)
    %dma_wait3A_39 = arith.constant 3 : i32
    %dma_wait3A_40 = arith.constant 0 : i32
    %dma_wait3A_41 = arith.constant 0 : i32
    %dma_wait3A_42 = arith.constant 0 : i32
    %dma_wait3A_43 = tpu.memref_slice %arg9[%dma_wait3A_39, %dma_wait3A_41, %dma_wait3A_42] : memref<4x128x64xf32, #tpu.memory_space<vmem>> -> memref<1x128x64xf32, #tpu.memory_space<vmem>>
    %dma_wait3A_44 = tpu.memref_squeeze %dma_wait3A_43 : memref<1x128x64xf32, #tpu.memory_space<vmem>> -> memref<128x64xf32, #tpu.memory_space<vmem>>
    %dma_wait3A_45 = arith.constant 0 : i32
    %dma_wait3A_46 = tpu.memref_slice %arg8[%dma_wait3A_40, %dma_wait3A_45] : memref<160x128xi32, #tpu.memory_space<vmem>> -> memref<1x128xi32, #tpu.memory_space<vmem>>
    %dma_wait3A_47 = tpu.memref_squeeze %dma_wait3A_46 : memref<1x128xi32, #tpu.memory_space<vmem>> -> memref<128xi32, #tpu.memory_space<vmem>>
    %dma_wait3A_48 = arith.constant 0 : i32
    %dma_wait3A_49 = arith.constant 0 : i32
    %dma_wait3A_50 = tpu.memref_slice %arg10[%dma_wait3A_48, %dma_wait3A_49] : memref<10240x64xf32, #tpu.memory_space<vmem_shared>> -> memref<10240x64xf32, #tpu.memory_space<vmem_shared>>
    tpu.wait_indirect_dma semaphore(%arg18 : memref<!tpu.dma_semaphore, #tpu.memory_space<semaphore_mem>>) src(%dma_wait3A_44 : memref<128x64xf32, #tpu.memory_space<vmem>>) dst(%dma_wait3A_50 : memref<10240x64xf32, #tpu.memory_space<vmem_shared>>)
    %barrier3A_51 = arith.constant 0 : index
    tpu.barrier barrier_id(%barrier3A_51)
    %mul3A_52 = arith.constant 640 : i32
    %mul3A_53 = arith.muli %arg1, %mul3A_52 : i32
    %mul3A_54 = arith.constant 640 : i32
    %mul3A_55 = arith.muli %arg1, %mul3A_54 : i32
    "tpu.region"() ({
      %run_scoped3A = tpu.sem_alloc : memref<!tpu.dma_semaphore, #tpu.memory_space<semaphore_mem>>
      %dma_start3A_56 = arith.constant 0 : i32
      %dma_start3A_57 = tpu.memref_slice %arg6[%arg0, %mul3A_55, %dma_start3A_56] : memref<2x10240x64xf32, #tpu.memory_space<hbm>> -> memref<1x640x64xf32, #tpu.memory_space<hbm>>
      %dma_start3A_58 = tpu.memref_squeeze %dma_start3A_57 : memref<1x640x64xf32, #tpu.memory_space<hbm>> -> memref<640x64xf32, #tpu.memory_space<hbm>>
      %dma_start3A_59 = arith.constant 0 : i32
      %dma_start3A_60 = tpu.memref_slice %arg10[%mul3A_53, %dma_start3A_59] : memref<10240x64xf32, #tpu.memory_space<vmem_shared>> -> memref<640x64xf32, #tpu.memory_space<vmem_shared>>
      tpu.enqueue_dma source(%dma_start3A_60 : memref<640x64xf32, #tpu.memory_space<vmem_shared>>) target(%dma_start3A_58 : memref<640x64xf32, #tpu.memory_space<hbm>>) target_semaphore(%run_scoped3A : memref<!tpu.dma_semaphore, #tpu.memory_space<semaphore_mem>>)
      %dma_wait3A_61 = arith.constant 0 : i32
      %dma_wait3A_62 = tpu.memref_slice %arg6[%arg0, %mul3A_55, %dma_wait3A_61] : memref<2x10240x64xf32, #tpu.memory_space<hbm>> -> memref<1x640x64xf32, #tpu.memory_space<hbm>>
      %dma_wait3A_63 = tpu.memref_squeeze %dma_wait3A_62 : memref<1x640x64xf32, #tpu.memory_space<hbm>> -> memref<640x64xf32, #tpu.memory_space<hbm>>
      %dma_wait3A_64 = arith.constant 0 : i32
      %dma_wait3A_65 = tpu.memref_slice %arg10[%mul3A_53, %dma_wait3A_64] : memref<10240x64xf32, #tpu.memory_space<vmem_shared>> -> memref<640x64xf32, #tpu.memory_space<vmem_shared>>
      tpu.wait_dma2 semaphore(%run_scoped3A : memref<!tpu.dma_semaphore, #tpu.memory_space<semaphore_mem>>) src(%dma_wait3A_65 : memref<640x64xf32, #tpu.memory_space<vmem_shared>>) dst(%dma_wait3A_63 : memref<640x64xf32, #tpu.memory_space<hbm>>)
      tpu.yield
    }) : () -> ()
    return
  }
}

#map = affine_map<(d0, d1) -> (0, 0, 0)>
#map1 = affine_map<(d0, d1) -> (0, 0)>
module attributes {stable_mosaic.version = 14 : i64} {
  func.func @_deg_body(%arg0: i32, %arg1: i32, %arg2: memref<32x80x128xi32, #tpu.memory_space<hbm>>, %arg3: memref<128x16xf32, #tpu.memory_space<hbm>>, %arg4: memref<640x16xf32, #tpu.memory_space<hbm>>, %arg5: memref<2x10240x16xf32, #tpu.memory_space<hbm>>, %arg6: memref<80x128xi32, #tpu.memory_space<vmem>>, %arg7: memref<128x16xf32, #tpu.memory_space<vmem>>, %arg8: memref<10240x16xf32, #tpu.memory_space<vmem_shared>>) attributes {dimension_semantics = [#tpu.dimension_semantics<core_parallel>, #tpu.dimension_semantics<subcore_parallel>], iteration_bounds = array<i64: 2, 16>, scalar_prefetch = 0 : i64, scratch_operands = 3 : i64, tpu.core_type = #tpu.core_type<sc_vector_subcore>, window_params = [{transform_indices = #map}, {transform_indices = #map1}, {transform_indices = #map1}, {transform_indices = #map}]} {
    %mul3A = arith.constant 2 : i32
    %mul3A_0 = arith.muli %arg1, %mul3A : i32
    %add3A = arith.addi %mul3A_0, %arg0 : i32
    "tpu.region"() ({
      %run_scoped3A = tpu.sem_alloc : memref<!tpu.dma_semaphore, #tpu.memory_space<semaphore_mem>>
      %dma_start3A = arith.constant 0 : i32
      %dma_start3A_12 = arith.constant 0 : i32
      %dma_start3A_13 = tpu.memref_slice %arg2[%add3A, %dma_start3A, %dma_start3A_12] : memref<32x80x128xi32, #tpu.memory_space<hbm>> -> memref<1x80x128xi32, #tpu.memory_space<hbm>>
      %dma_start3A_14 = tpu.memref_squeeze %dma_start3A_13 : memref<1x80x128xi32, #tpu.memory_space<hbm>> -> memref<80x128xi32, #tpu.memory_space<hbm>>
      %dma_start3A_15 = arith.constant 0 : i32
      %dma_start3A_16 = arith.constant 0 : i32
      %dma_start3A_17 = tpu.memref_slice %arg2[%add3A, %dma_start3A_15, %dma_start3A_16] : memref<32x80x128xi32, #tpu.memory_space<hbm>> -> memref<1x80x128xi32, #tpu.memory_space<hbm>>
      %dma_start3A_18 = tpu.memref_squeeze %dma_start3A_17 : memref<1x80x128xi32, #tpu.memory_space<hbm>> -> memref<80x128xi32, #tpu.memory_space<hbm>>
      tpu.enqueue_dma source(%dma_start3A_18 : memref<80x128xi32, #tpu.memory_space<hbm>>) target(%arg6 : memref<80x128xi32, #tpu.memory_space<vmem>>) target_semaphore(%run_scoped3A : memref<!tpu.dma_semaphore, #tpu.memory_space<semaphore_mem>>)
      %dma_wait3A = arith.constant 0 : i32
      %dma_wait3A_19 = arith.constant 0 : i32
      %dma_wait3A_20 = tpu.memref_slice %arg2[%add3A, %dma_wait3A, %dma_wait3A_19] : memref<32x80x128xi32, #tpu.memory_space<hbm>> -> memref<1x80x128xi32, #tpu.memory_space<hbm>>
      %dma_wait3A_21 = tpu.memref_squeeze %dma_wait3A_20 : memref<1x80x128xi32, #tpu.memory_space<hbm>> -> memref<80x128xi32, #tpu.memory_space<hbm>>
      %dma_wait3A_22 = arith.constant 0 : i32
      %dma_wait3A_23 = arith.constant 0 : i32
      %dma_wait3A_24 = tpu.memref_slice %arg2[%add3A, %dma_wait3A_22, %dma_wait3A_23] : memref<32x80x128xi32, #tpu.memory_space<hbm>> -> memref<1x80x128xi32, #tpu.memory_space<hbm>>
      %dma_wait3A_25 = tpu.memref_squeeze %dma_wait3A_24 : memref<1x80x128xi32, #tpu.memory_space<hbm>> -> memref<80x128xi32, #tpu.memory_space<hbm>>
      tpu.wait_dma2 semaphore(%run_scoped3A : memref<!tpu.dma_semaphore, #tpu.memory_space<semaphore_mem>>) src(%dma_wait3A_25 : memref<80x128xi32, #tpu.memory_space<hbm>>) dst(%arg6 : memref<80x128xi32, #tpu.memory_space<vmem>>)
      tpu.yield
    }) : () -> ()
    "tpu.region"() ({
      %run_scoped3A = tpu.sem_alloc : memref<!tpu.dma_semaphore, #tpu.memory_space<semaphore_mem>>
      tpu.enqueue_dma source(%arg3 : memref<128x16xf32, #tpu.memory_space<hbm>>) target(%arg7 : memref<128x16xf32, #tpu.memory_space<vmem>>) target_semaphore(%run_scoped3A : memref<!tpu.dma_semaphore, #tpu.memory_space<semaphore_mem>>)
      tpu.wait_dma2 semaphore(%run_scoped3A : memref<!tpu.dma_semaphore, #tpu.memory_space<semaphore_mem>>) src(%arg3 : memref<128x16xf32, #tpu.memory_space<hbm>>) dst(%arg7 : memref<128x16xf32, #tpu.memory_space<vmem>>)
      tpu.yield
    }) : () -> ()
    %mul3A_1 = arith.constant 640 : i32
    %mul3A_2 = arith.muli %arg1, %mul3A_1 : i32
    "tpu.region"() ({
      %run_scoped3A = tpu.sem_alloc : memref<!tpu.dma_semaphore, #tpu.memory_space<semaphore_mem>>
      %dma_start3A = arith.constant 0 : i32
      %dma_start3A_12 = tpu.memref_slice %arg8[%mul3A_2, %dma_start3A] : memref<10240x16xf32, #tpu.memory_space<vmem_shared>> -> memref<640x16xf32, #tpu.memory_space<vmem_shared>>
      tpu.enqueue_dma source(%arg4 : memref<640x16xf32, #tpu.memory_space<hbm>>) target(%dma_start3A_12 : memref<640x16xf32, #tpu.memory_space<vmem_shared>>) target_semaphore(%run_scoped3A : memref<!tpu.dma_semaphore, #tpu.memory_space<semaphore_mem>>)
      %dma_wait3A = arith.constant 0 : i32
      %dma_wait3A_13 = tpu.memref_slice %arg8[%mul3A_2, %dma_wait3A] : memref<10240x16xf32, #tpu.memory_space<vmem_shared>> -> memref<640x16xf32, #tpu.memory_space<vmem_shared>>
      tpu.wait_dma2 semaphore(%run_scoped3A : memref<!tpu.dma_semaphore, #tpu.memory_space<semaphore_mem>>) src(%arg4 : memref<640x16xf32, #tpu.memory_space<hbm>>) dst(%dma_wait3A_13 : memref<640x16xf32, #tpu.memory_space<vmem_shared>>)
      tpu.yield
    }) : () -> ()
    %barrier3A = arith.constant 0 : index
    tpu.barrier barrier_id(%barrier3A)
    %scan3A = arith.constant 0 : i32
    %scan3A_3 = arith.constant 80 : i32
    %scan3A_4 = arith.addi %scan3A, %scan3A_3 : i32
    %scan3A_5 = arith.constant 1 : i32
    scf.for %scan3A_12 = %scan3A to %scan3A_4 step %scan3A_5  : i32 {
      %mul3A_13 = arith.constant 1 : i32
      %mul3A_14 = arith.muli %scan3A_12, %mul3A_13 : i32
      %add3A_15 = arith.constant 0 : i32
      %add3A_16 = arith.addi %add3A_15, %mul3A_14 : i32
      "tpu.region"() ({
        %run_scoped3A = tpu.sem_alloc : memref<!tpu.dma_semaphore, #tpu.memory_space<semaphore_mem>>
        %dma_start3A = arith.constant 0 : i32
        %dma_start3A_17 = tpu.memref_slice %arg6[%add3A_16, %dma_start3A] : memref<80x128xi32, #tpu.memory_space<vmem>> -> memref<1x128xi32, #tpu.memory_space<vmem>>
        %dma_start3A_18 = tpu.memref_squeeze %dma_start3A_17 : memref<1x128xi32, #tpu.memory_space<vmem>> -> memref<128xi32, #tpu.memory_space<vmem>>
        %dma_start3A_19 = arith.constant 0 : i32
        %dma_start3A_20 = arith.constant 0 : i32
        %dma_start3A_21 = tpu.memref_slice %arg8[%dma_start3A_19, %dma_start3A_20] : memref<10240x16xf32, #tpu.memory_space<vmem_shared>> -> memref<10240x16xf32, #tpu.memory_space<vmem_shared>>
        tpu.enqueue_indirect_dma source(%arg7 : memref<128x16xf32, #tpu.memory_space<vmem>>) target(%dma_start3A_21 : memref<10240x16xf32, #tpu.memory_space<vmem_shared>>) offsets(%dma_start3A_18 : memref<128xi32, #tpu.memory_space<vmem>>) semaphore(%run_scoped3A : memref<!tpu.dma_semaphore, #tpu.memory_space<semaphore_mem>>) {add = true}
        %dma_wait3A = arith.constant 0 : i32
        %dma_wait3A_22 = tpu.memref_slice %arg6[%add3A_16, %dma_wait3A] : memref<80x128xi32, #tpu.memory_space<vmem>> -> memref<1x128xi32, #tpu.memory_space<vmem>>
        %dma_wait3A_23 = tpu.memref_squeeze %dma_wait3A_22 : memref<1x128xi32, #tpu.memory_space<vmem>> -> memref<128xi32, #tpu.memory_space<vmem>>
        %dma_wait3A_24 = arith.constant 0 : i32
        %dma_wait3A_25 = arith.constant 0 : i32
        %dma_wait3A_26 = tpu.memref_slice %arg8[%dma_wait3A_24, %dma_wait3A_25] : memref<10240x16xf32, #tpu.memory_space<vmem_shared>> -> memref<10240x16xf32, #tpu.memory_space<vmem_shared>>
        tpu.wait_indirect_dma semaphore(%run_scoped3A : memref<!tpu.dma_semaphore, #tpu.memory_space<semaphore_mem>>) src(%arg7 : memref<128x16xf32, #tpu.memory_space<vmem>>) dst(%dma_wait3A_26 : memref<10240x16xf32, #tpu.memory_space<vmem_shared>>)
        tpu.yield
      }) : () -> ()
    }
    %scan3A_6 = arith.constant 80 : i32
    %barrier3A_7 = arith.constant 0 : index
    tpu.barrier barrier_id(%barrier3A_7)
    %mul3A_8 = arith.constant 640 : i32
    %mul3A_9 = arith.muli %arg1, %mul3A_8 : i32
    %mul3A_10 = arith.constant 640 : i32
    %mul3A_11 = arith.muli %arg1, %mul3A_10 : i32
    "tpu.region"() ({
      %run_scoped3A = tpu.sem_alloc : memref<!tpu.dma_semaphore, #tpu.memory_space<semaphore_mem>>
      %dma_start3A = arith.constant 0 : i32
      %dma_start3A_12 = tpu.memref_slice %arg5[%arg0, %mul3A_11, %dma_start3A] : memref<2x10240x16xf32, #tpu.memory_space<hbm>> -> memref<1x640x16xf32, #tpu.memory_space<hbm>>
      %dma_start3A_13 = tpu.memref_squeeze %dma_start3A_12 : memref<1x640x16xf32, #tpu.memory_space<hbm>> -> memref<640x16xf32, #tpu.memory_space<hbm>>
      %dma_start3A_14 = arith.constant 0 : i32
      %dma_start3A_15 = tpu.memref_slice %arg8[%mul3A_9, %dma_start3A_14] : memref<10240x16xf32, #tpu.memory_space<vmem_shared>> -> memref<640x16xf32, #tpu.memory_space<vmem_shared>>
      tpu.enqueue_dma source(%dma_start3A_15 : memref<640x16xf32, #tpu.memory_space<vmem_shared>>) target(%dma_start3A_13 : memref<640x16xf32, #tpu.memory_space<hbm>>) target_semaphore(%run_scoped3A : memref<!tpu.dma_semaphore, #tpu.memory_space<semaphore_mem>>)
      %dma_wait3A = arith.constant 0 : i32
      %dma_wait3A_16 = tpu.memref_slice %arg5[%arg0, %mul3A_11, %dma_wait3A] : memref<2x10240x16xf32, #tpu.memory_space<hbm>> -> memref<1x640x16xf32, #tpu.memory_space<hbm>>
      %dma_wait3A_17 = tpu.memref_squeeze %dma_wait3A_16 : memref<1x640x16xf32, #tpu.memory_space<hbm>> -> memref<640x16xf32, #tpu.memory_space<hbm>>
      %dma_wait3A_18 = arith.constant 0 : i32
      %dma_wait3A_19 = tpu.memref_slice %arg8[%mul3A_9, %dma_wait3A_18] : memref<10240x16xf32, #tpu.memory_space<vmem_shared>> -> memref<640x16xf32, #tpu.memory_space<vmem_shared>>
      tpu.wait_dma2 semaphore(%run_scoped3A : memref<!tpu.dma_semaphore, #tpu.memory_space<semaphore_mem>>) src(%dma_wait3A_19 : memref<640x16xf32, #tpu.memory_space<vmem_shared>>) dst(%dma_wait3A_17 : memref<640x16xf32, #tpu.memory_space<hbm>>)
      tpu.yield
    }) : () -> ()
    return
  }
}

module attributes {stable_mosaic.version = 14 : i64} {
  func.func @_mm1_body(%arg0: i32, %arg1: memref<1000x128xf32, #tpu.memory_space<vmem>>, %arg2: memref<128x128xf32, #tpu.memory_space<vmem>>, %arg3: memref<2x1000x16xf32, #tpu.memory_space<vmem>>, %arg4: memref<2x1000x64xf32, #tpu.memory_space<vmem>>) attributes {dimension_semantics = [#tpu.dimension_semantics<arbitrary>], iteration_bounds = array<i64: 10>, scalar_prefetch = 0 : i64, scratch_operands = 0 : i64, tpu.core_type = #tpu.core_type<tc>, window_params = [{transform_indices = @transform_0, window_bounds = array<i64: 1000, 128>}, {pipeline_mode = #tpu.pipeline_mode<synchronous>, transform_indices = @transform_1, window_bounds = array<i64: 128, 128>}, {transform_indices = @transform_2, window_bounds = array<i64: 2, 1000, 16>}, {transform_indices = @transform_3, window_bounds = array<i64: 2, 1000, 64>}]} {
    %get3A = arith.constant 0 : index
    %get3A_0 = arith.constant 0 : index
    %get3A_1 = arith.constant 0 : index
    %get3A_2 = vector.load %arg3[%get3A, %get3A_0, %get3A_1] : memref<2x1000x16xf32, #tpu.memory_space<vmem>>, vector<2x1000x16xf32>
    %slice3A = vector.extract_strided_slice %get3A_2 {offsets = [0, 0, 0], sizes = [1, 1000, 1], strides = [1, 1, 1]} : vector<2x1000x16xf32> to vector<1x1000x1xf32>
    %squeeze3A = vector.shape_cast %slice3A : vector<1x1000x1xf32> to vector<1000x1xf32>
    %slice3A_3 = vector.extract_strided_slice %get3A_2 {offsets = [1, 0, 0], sizes = [1, 1000, 1], strides = [1, 1, 1]} : vector<2x1000x16xf32> to vector<1x1000x1xf32>
    %squeeze3A_4 = vector.shape_cast %slice3A_3 : vector<1x1000x1xf32> to vector<1000x1xf32>
    %add3A = arith.addf %squeeze3A, %squeeze3A_4 : vector<1000x1xf32>
    %add3A_5 = arith.constant 1.000000e+00 : f32
    %add3A_6 = vector.broadcast %add3A_5 : f32 to vector<1000x1xf32>
    %add3A_7 = arith.addf %add3A, %add3A_6 : vector<1000x1xf32>
    %rsqrt3A = math.rsqrt %add3A_7 : vector<1000x1xf32>
    %get3A_8 = arith.constant 0 : index
    %get3A_9 = arith.constant 0 : index
    %get3A_10 = vector.load %arg1[%get3A_8, %get3A_9] : memref<1000x128xf32, #tpu.memory_space<vmem>>, vector<1000x128xf32>
    %get3A_11 = arith.constant 0 : index
    %get3A_12 = arith.constant 0 : index
    %get3A_13 = vector.load %arg2[%get3A_11, %get3A_12] : memref<128x128xf32, #tpu.memory_space<vmem>>, vector<128x128xf32>
    %dot_general3A = arith.constant dense<0.000000e+00> : vector<1000x128xf32>
    %dot_general3A_14 = tpu.matmul %get3A_10, %get3A_13, %dot_general3A {dimension_numbers = #tpu.dot_dimension_numbers<[1], [0], [0], [1], [0, 0, 1, 1], [], []>, transpose_lhs_hint = false} : vector<1000x128xf32>, vector<128x128xf32>, vector<1000x128xf32> -> vector<1000x128xf32>
    %mul3A = vector.broadcast %rsqrt3A : vector<1000x1xf32> to vector<1000x128xf32>
    %mul3A_15 = arith.mulf %mul3A, %dot_general3A_14 : vector<1000x128xf32>
    %slice3A_16 = vector.extract_strided_slice %mul3A_15 {offsets = [0, 0], sizes = [1000, 64], strides = [1, 1]} : vector<1000x128xf32> to vector<1000x64xf32>
    %swap3A = arith.constant 0 : index
    %swap3A_17 = arith.constant 0 : index
    %swap3A_18 = arith.constant 0 : index
    %swap3A_19 = vector.load %arg4[%swap3A, %swap3A_17, %swap3A_18] : memref<2x1000x64xf32, #tpu.memory_space<vmem>>, vector<1x1000x64xf32>
    %swap3A_20 = vector.shape_cast %swap3A_19 : vector<1x1000x64xf32> to vector<1000x64xf32>
    %swap3A_21 = vector.shape_cast %slice3A_16 : vector<1000x64xf32> to vector<1x1000x64xf32>
    tpu.vector_store %arg4[%swap3A, %swap3A_17, %swap3A_18], %swap3A_21 {strides = array<i32>} : memref<2x1000x64xf32, #tpu.memory_space<vmem>>, vector<1x1000x64xf32>,
    %slice3A_22 = vector.extract_strided_slice %mul3A_15 {offsets = [0, 64], sizes = [1000, 64], strides = [1, 1]} : vector<1000x128xf32> to vector<1000x64xf32>
    %swap3A_23 = arith.constant 1 : index
    %swap3A_24 = arith.constant 0 : index
    %swap3A_25 = arith.constant 0 : index
    %swap3A_26 = vector.load %arg4[%swap3A_23, %swap3A_24, %swap3A_25] : memref<2x1000x64xf32, #tpu.memory_space<vmem>>, vector<1x1000x64xf32>
    %swap3A_27 = vector.shape_cast %swap3A_26 : vector<1x1000x64xf32> to vector<1000x64xf32>
    %swap3A_28 = vector.shape_cast %slice3A_22 : vector<1000x64xf32> to vector<1x1000x64xf32>
    tpu.vector_store %arg4[%swap3A_23, %swap3A_24, %swap3A_25], %swap3A_28 {strides = array<i32>} : memref<2x1000x64xf32, #tpu.memory_space<vmem>>, vector<1x1000x64xf32>,
    return
  }
  func.func @transform_0(%arg0: i32) -> (i32, i32) {
    %c0_i32 = arith.constant 0 : i32
    %c0_i32_0 = arith.constant 0 : i32
    return %arg0, %c0_i32 : i32, i32
  }
  func.func @transform_1(%arg0: i32) -> (i32, i32) {
    %c0_i32 = arith.constant 0 : i32
    %c0_i32_0 = arith.constant 0 : i32
    %c0_i32_1 = arith.constant 0 : i32
    return %c0_i32, %c0_i32_0 : i32, i32
  }
  func.func @transform_2(%arg0: i32) -> (i32, i32, i32) {
    %c0_i32 = arith.constant 0 : i32
    %c0_i32_0 = arith.constant 0 : i32
    %c0_i32_1 = arith.constant 0 : i32
    return %c0_i32, %arg0, %c0_i32_0 : i32, i32, i32
  }
  func.func @transform_3(%arg0: i32) -> (i32, i32, i32) {
    %c0_i32 = arith.constant 0 : i32
    %c0_i32_0 = arith.constant 0 : i32
    %c0_i32_1 = arith.constant 0 : i32
    return %c0_i32, %arg0, %c0_i32_0 : i32, i32, i32
  }
}

module attributes {stable_mosaic.version = 14 : i64} {
  func.func @_mm2_body(%arg0: i32, %arg1: memref<2x1000x64xf32, #tpu.memory_space<vmem>>, %arg2: memref<2x1000x64xf32, #tpu.memory_space<vmem>>, %arg3: memref<2x1000x16xf32, #tpu.memory_space<vmem>>, %arg4: memref<128x128xf32, #tpu.memory_space<vmem>>, %arg5: memref<1x128xf32, #tpu.memory_space<vmem>>, %arg6: memref<2x1000x64xf32, #tpu.memory_space<vmem>>) attributes {dimension_semantics = [#tpu.dimension_semantics<arbitrary>], iteration_bounds = array<i64: 10>, scalar_prefetch = 0 : i64, scratch_operands = 0 : i64, tpu.core_type = #tpu.core_type<tc>, window_params = [{transform_indices = @transform_0, window_bounds = array<i64: 2, 1000, 64>}, {transform_indices = @transform_1, window_bounds = array<i64: 2, 1000, 64>}, {transform_indices = @transform_2, window_bounds = array<i64: 2, 1000, 16>}, {pipeline_mode = #tpu.pipeline_mode<synchronous>, transform_indices = @transform_3, window_bounds = array<i64: 128, 128>}, {pipeline_mode = #tpu.pipeline_mode<synchronous>, transform_indices = @transform_4, window_bounds = array<i64: 1, 128>}, {transform_indices = @transform_5, window_bounds = array<i64: 2, 1000, 64>}]} {
    %get3A = arith.constant 0 : index
    %get3A_0 = arith.constant 0 : index
    %get3A_1 = arith.constant 0 : index
    %get3A_2 = vector.load %arg3[%get3A, %get3A_0, %get3A_1] : memref<2x1000x16xf32, #tpu.memory_space<vmem>>, vector<2x1000x16xf32>
    %slice3A = vector.extract_strided_slice %get3A_2 {offsets = [0, 0, 0], sizes = [1, 1000, 1], strides = [1, 1, 1]} : vector<2x1000x16xf32> to vector<1x1000x1xf32>
    %squeeze3A = vector.shape_cast %slice3A : vector<1x1000x1xf32> to vector<1000x1xf32>
    %slice3A_3 = vector.extract_strided_slice %get3A_2 {offsets = [1, 0, 0], sizes = [1, 1000, 1], strides = [1, 1, 1]} : vector<2x1000x16xf32> to vector<1x1000x1xf32>
    %squeeze3A_4 = vector.shape_cast %slice3A_3 : vector<1x1000x1xf32> to vector<1000x1xf32>
    %add3A = arith.addf %squeeze3A, %squeeze3A_4 : vector<1000x1xf32>
    %add3A_5 = arith.constant 1.000000e+00 : f32
    %add3A_6 = vector.broadcast %add3A_5 : f32 to vector<1000x1xf32>
    %add3A_7 = arith.addf %add3A, %add3A_6 : vector<1000x1xf32>
    %rsqrt3A = math.rsqrt %add3A_7 : vector<1000x1xf32>
    %get3A_8 = arith.constant 0 : index
    %get3A_9 = arith.constant 0 : index
    %get3A_10 = arith.constant 0 : index
    %get3A_11 = vector.load %arg1[%get3A_8, %get3A_9, %get3A_10] : memref<2x1000x64xf32, #tpu.memory_space<vmem>>, vector<2x1000x64xf32>
    %slice3A_12 = vector.extract_strided_slice %get3A_11 {offsets = [0, 0, 0], sizes = [1, 1000, 64], strides = [1, 1, 1]} : vector<2x1000x64xf32> to vector<1x1000x64xf32>
    %squeeze3A_13 = vector.shape_cast %slice3A_12 : vector<1x1000x64xf32> to vector<1000x64xf32>
    %slice3A_14 = vector.extract_strided_slice %get3A_11 {offsets = [1, 0, 0], sizes = [1, 1000, 64], strides = [1, 1, 1]} : vector<2x1000x64xf32> to vector<1x1000x64xf32>
    %squeeze3A_15 = vector.shape_cast %slice3A_14 : vector<1x1000x64xf32> to vector<1000x64xf32>
    %concatenate3A = tpu.concatenate %squeeze3A_13, %squeeze3A_15 in 1 : vector<1000x64xf32>, vector<1000x64xf32> -> vector<1000x128xf32>
    %get3A_16 = arith.constant 0 : index
    %get3A_17 = arith.constant 0 : index
    %get3A_18 = arith.constant 0 : index
    %get3A_19 = vector.load %arg2[%get3A_16, %get3A_17, %get3A_18] : memref<2x1000x64xf32, #tpu.memory_space<vmem>>, vector<2x1000x64xf32>
    %slice3A_20 = vector.extract_strided_slice %get3A_19 {offsets = [0, 0, 0], sizes = [1, 1000, 64], strides = [1, 1, 1]} : vector<2x1000x64xf32> to vector<1x1000x64xf32>
    %squeeze3A_21 = vector.shape_cast %slice3A_20 : vector<1x1000x64xf32> to vector<1000x64xf32>
    %slice3A_22 = vector.extract_strided_slice %get3A_19 {offsets = [1, 0, 0], sizes = [1, 1000, 64], strides = [1, 1, 1]} : vector<2x1000x64xf32> to vector<1x1000x64xf32>
    %squeeze3A_23 = vector.shape_cast %slice3A_22 : vector<1x1000x64xf32> to vector<1000x64xf32>
    %concatenate3A_24 = tpu.concatenate %squeeze3A_21, %squeeze3A_23 in 1 : vector<1000x64xf32>, vector<1000x64xf32> -> vector<1000x128xf32>
    %add3A_25 = arith.addf %concatenate3A, %concatenate3A_24 : vector<1000x128xf32>
    %mul3A = vector.broadcast %rsqrt3A : vector<1000x1xf32> to vector<1000x128xf32>
    %mul3A_26 = arith.mulf %mul3A, %add3A_25 : vector<1000x128xf32>
    %get3A_27 = arith.constant 0 : index
    %get3A_28 = arith.constant 0 : index
    %get3A_29 = vector.load %arg5[%get3A_27, %get3A_28] : memref<1x128xf32, #tpu.memory_space<vmem>>, vector<1x128xf32>
    %add3A_30 = vector.broadcast %get3A_29 : vector<1x128xf32> to vector<1000x128xf32>
    %add3A_31 = arith.addf %mul3A_26, %add3A_30 : vector<1000x128xf32>
    %max3A = arith.constant 0.000000e+00 : f32
    %max3A_32 = vector.broadcast %max3A : f32 to vector<1000x128xf32>
    %max3A_33 = arith.maximumf %add3A_31, %max3A_32 : vector<1000x128xf32>
    %get3A_34 = arith.constant 0 : index
    %get3A_35 = arith.constant 0 : index
    %get3A_36 = vector.load %arg4[%get3A_34, %get3A_35] : memref<128x128xf32, #tpu.memory_space<vmem>>, vector<128x128xf32>
    %dot_general3A = arith.constant dense<0.000000e+00> : vector<1000x128xf32>
    %dot_general3A_37 = tpu.matmul %max3A_33, %get3A_36, %dot_general3A {dimension_numbers = #tpu.dot_dimension_numbers<[1], [0], [0], [1], [0, 0, 1, 1], [], []>, transpose_lhs_hint = false} : vector<1000x128xf32>, vector<128x128xf32>, vector<1000x128xf32> -> vector<1000x128xf32>
    %mul3A_38 = vector.broadcast %rsqrt3A : vector<1000x1xf32> to vector<1000x128xf32>
    %mul3A_39 = arith.mulf %mul3A_38, %dot_general3A_37 : vector<1000x128xf32>
    %slice3A_40 = vector.extract_strided_slice %mul3A_39 {offsets = [0, 0], sizes = [1000, 64], strides = [1, 1]} : vector<1000x128xf32> to vector<1000x64xf32>
    %swap3A = arith.constant 0 : index
    %swap3A_41 = arith.constant 0 : index
    %swap3A_42 = arith.constant 0 : index
    %swap3A_43 = vector.load %arg6[%swap3A, %swap3A_41, %swap3A_42] : memref<2x1000x64xf32, #tpu.memory_space<vmem>>, vector<1x1000x64xf32>
    %swap3A_44 = vector.shape_cast %swap3A_43 : vector<1x1000x64xf32> to vector<1000x64xf32>
    %swap3A_45 = vector.shape_cast %slice3A_40 : vector<1000x64xf32> to vector<1x1000x64xf32>
    tpu.vector_store %arg6[%swap3A, %swap3A_41, %swap3A_42], %swap3A_45 {strides = array<i32>} : memref<2x1000x64xf32, #tpu.memory_space<vmem>>, vector<1x1000x64xf32>,
    %slice3A_46 = vector.extract_strided_slice %mul3A_39 {offsets = [0, 64], sizes = [1000, 64], strides = [1, 1]} : vector<1000x128xf32> to vector<1000x64xf32>
    %swap3A_47 = arith.constant 1 : index
    %swap3A_48 = arith.constant 0 : index
    %swap3A_49 = arith.constant 0 : index
    %swap3A_50 = vector.load %arg6[%swap3A_47, %swap3A_48, %swap3A_49] : memref<2x1000x64xf32, #tpu.memory_space<vmem>>, vector<1x1000x64xf32>
    %swap3A_51 = vector.shape_cast %swap3A_50 : vector<1x1000x64xf32> to vector<1000x64xf32>
    %swap3A_52 = vector.shape_cast %slice3A_46 : vector<1000x64xf32> to vector<1x1000x64xf32>
    tpu.vector_store %arg6[%swap3A_47, %swap3A_48, %swap3A_49], %swap3A_52 {strides = array<i32>} : memref<2x1000x64xf32, #tpu.memory_space<vmem>>, vector<1x1000x64xf32>,
    return
  }
  func.func @transform_0(%arg0: i32) -> (i32, i32, i32) {
    %c0_i32 = arith.constant 0 : i32
    %c0_i32_0 = arith.constant 0 : i32
    %c0_i32_1 = arith.constant 0 : i32
    return %c0_i32, %arg0, %c0_i32_0 : i32, i32, i32
  }
  func.func @transform_1(%arg0: i32) -> (i32, i32, i32) {
    %c0_i32 = arith.constant 0 : i32
    %c0_i32_0 = arith.constant 0 : i32
    %c0_i32_1 = arith.constant 0 : i32
    return %c0_i32, %arg0, %c0_i32_0 : i32, i32, i32
  }
  func.func @transform_2(%arg0: i32) -> (i32, i32, i32) {
    %c0_i32 = arith.constant 0 : i32
    %c0_i32_0 = arith.constant 0 : i32
    %c0_i32_1 = arith.constant 0 : i32
    return %c0_i32, %arg0, %c0_i32_0 : i32, i32, i32
  }
  func.func @transform_3(%arg0: i32) -> (i32, i32) {
    %c0_i32 = arith.constant 0 : i32
    %c0_i32_0 = arith.constant 0 : i32
    %c0_i32_1 = arith.constant 0 : i32
    return %c0_i32, %c0_i32_0 : i32, i32
  }
  func.func @transform_4(%arg0: i32) -> (i32, i32) {
    %c0_i32 = arith.constant 0 : i32
    %c0_i32_0 = arith.constant 0 : i32
    %c0_i32_1 = arith.constant 0 : i32
    return %c0_i32, %c0_i32_0 : i32, i32
  }
  func.func @transform_5(%arg0: i32) -> (i32, i32, i32) {
    %c0_i32 = arith.constant 0 : i32
    %c0_i32_0 = arith.constant 0 : i32
    %c0_i32_1 = arith.constant 0 : i32
    return %c0_i32, %arg0, %c0_i32_0 : i32, i32, i32
  }
}

module attributes {stable_mosaic.version = 14 : i64} {
  func.func @_fin_body(%arg0: i32, %arg1: memref<2x1000x64xf32, #tpu.memory_space<vmem>>, %arg2: memref<2x1000x64xf32, #tpu.memory_space<vmem>>, %arg3: memref<2x1000x16xf32, #tpu.memory_space<vmem>>, %arg4: memref<1x128xf32, #tpu.memory_space<vmem>>, %arg5: memref<1000x128xf32, #tpu.memory_space<vmem>>) attributes {dimension_semantics = [#tpu.dimension_semantics<arbitrary>], iteration_bounds = array<i64: 10>, scalar_prefetch = 0 : i64, scratch_operands = 0 : i64, tpu.core_type = #tpu.core_type<tc>, window_params = [{transform_indices = @transform_0, window_bounds = array<i64: 2, 1000, 64>}, {transform_indices = @transform_1, window_bounds = array<i64: 2, 1000, 64>}, {transform_indices = @transform_2, window_bounds = array<i64: 2, 1000, 16>}, {pipeline_mode = #tpu.pipeline_mode<synchronous>, transform_indices = @transform_3, window_bounds = array<i64: 1, 128>}, {transform_indices = @transform_4, window_bounds = array<i64: 1000, 128>}]} {
    %get3A = arith.constant 0 : index
    %get3A_0 = arith.constant 0 : index
    %get3A_1 = arith.constant 0 : index
    %get3A_2 = vector.load %arg3[%get3A, %get3A_0, %get3A_1] : memref<2x1000x16xf32, #tpu.memory_space<vmem>>, vector<2x1000x16xf32>
    %slice3A = vector.extract_strided_slice %get3A_2 {offsets = [0, 0, 0], sizes = [1, 1000, 1], strides = [1, 1, 1]} : vector<2x1000x16xf32> to vector<1x1000x1xf32>
    %squeeze3A = vector.shape_cast %slice3A : vector<1x1000x1xf32> to vector<1000x1xf32>
    %slice3A_3 = vector.extract_strided_slice %get3A_2 {offsets = [1, 0, 0], sizes = [1, 1000, 1], strides = [1, 1, 1]} : vector<2x1000x16xf32> to vector<1x1000x1xf32>
    %squeeze3A_4 = vector.shape_cast %slice3A_3 : vector<1x1000x1xf32> to vector<1000x1xf32>
    %add3A = arith.addf %squeeze3A, %squeeze3A_4 : vector<1000x1xf32>
    %add3A_5 = arith.constant 1.000000e+00 : f32
    %add3A_6 = vector.broadcast %add3A_5 : f32 to vector<1000x1xf32>
    %add3A_7 = arith.addf %add3A, %add3A_6 : vector<1000x1xf32>
    %rsqrt3A = math.rsqrt %add3A_7 : vector<1000x1xf32>
    %get3A_8 = arith.constant 0 : index
    %get3A_9 = arith.constant 0 : index
    %get3A_10 = arith.constant 0 : index
    %get3A_11 = vector.load %arg1[%get3A_8, %get3A_9, %get3A_10] : memref<2x1000x64xf32, #tpu.memory_space<vmem>>, vector<2x1000x64xf32>
    %slice3A_12 = vector.extract_strided_slice %get3A_11 {offsets = [0, 0, 0], sizes = [1, 1000, 64], strides = [1, 1, 1]} : vector<2x1000x64xf32> to vector<1x1000x64xf32>
    %squeeze3A_13 = vector.shape_cast %slice3A_12 : vector<1x1000x64xf32> to vector<1000x64xf32>
    %slice3A_14 = vector.extract_strided_slice %get3A_11 {offsets = [1, 0, 0], sizes = [1, 1000, 64], strides = [1, 1, 1]} : vector<2x1000x64xf32> to vector<1x1000x64xf32>
    %squeeze3A_15 = vector.shape_cast %slice3A_14 : vector<1x1000x64xf32> to vector<1000x64xf32>
    %concatenate3A = tpu.concatenate %squeeze3A_13, %squeeze3A_15 in 1 : vector<1000x64xf32>, vector<1000x64xf32> -> vector<1000x128xf32>
    %get3A_16 = arith.constant 0 : index
    %get3A_17 = arith.constant 0 : index
    %get3A_18 = arith.constant 0 : index
    %get3A_19 = vector.load %arg2[%get3A_16, %get3A_17, %get3A_18] : memref<2x1000x64xf32, #tpu.memory_space<vmem>>, vector<2x1000x64xf32>
    %slice3A_20 = vector.extract_strided_slice %get3A_19 {offsets = [0, 0, 0], sizes = [1, 1000, 64], strides = [1, 1, 1]} : vector<2x1000x64xf32> to vector<1x1000x64xf32>
    %squeeze3A_21 = vector.shape_cast %slice3A_20 : vector<1x1000x64xf32> to vector<1000x64xf32>
    %slice3A_22 = vector.extract_strided_slice %get3A_19 {offsets = [1, 0, 0], sizes = [1, 1000, 64], strides = [1, 1, 1]} : vector<2x1000x64xf32> to vector<1x1000x64xf32>
    %squeeze3A_23 = vector.shape_cast %slice3A_22 : vector<1x1000x64xf32> to vector<1000x64xf32>
    %concatenate3A_24 = tpu.concatenate %squeeze3A_21, %squeeze3A_23 in 1 : vector<1000x64xf32>, vector<1000x64xf32> -> vector<1000x128xf32>
    %add3A_25 = arith.addf %concatenate3A, %concatenate3A_24 : vector<1000x128xf32>
    %mul3A = vector.broadcast %rsqrt3A : vector<1000x1xf32> to vector<1000x128xf32>
    %mul3A_26 = arith.mulf %mul3A, %add3A_25 : vector<1000x128xf32>
    %get3A_27 = arith.constant 0 : index
    %get3A_28 = arith.constant 0 : index
    %get3A_29 = vector.load %arg4[%get3A_27, %get3A_28] : memref<1x128xf32, #tpu.memory_space<vmem>>, vector<1x128xf32>
    %add3A_30 = vector.broadcast %get3A_29 : vector<1x128xf32> to vector<1000x128xf32>
    %add3A_31 = arith.addf %mul3A_26, %add3A_30 : vector<1000x128xf32>
    %swap3A = arith.constant 0 : index
    %swap3A_32 = arith.constant 0 : index
    %swap3A_33 = vector.load %arg5[%swap3A, %swap3A_32] : memref<1000x128xf32, #tpu.memory_space<vmem>>, vector<1000x128xf32>
    tpu.vector_store %arg5[%swap3A, %swap3A_32], %add3A_31 {strides = array<i32>} : memref<1000x128xf32, #tpu.memory_space<vmem>>, vector<1000x128xf32>,
    return
  }
  func.func @transform_0(%arg0: i32) -> (i32, i32, i32) {
    %c0_i32 = arith.constant 0 : i32
    %c0_i32_0 = arith.constant 0 : i32
    %c0_i32_1 = arith.constant 0 : i32
    return %c0_i32, %arg0, %c0_i32_0 : i32, i32, i32
  }
  func.func @transform_1(%arg0: i32) -> (i32, i32, i32) {
    %c0_i32 = arith.constant 0 : i32
    %c0_i32_0 = arith.constant 0 : i32
    %c0_i32_1 = arith.constant 0 : i32
    return %c0_i32, %arg0, %c0_i32_0 : i32, i32, i32
  }
  func.func @transform_2(%arg0: i32) -> (i32, i32, i32) {
    %c0_i32 = arith.constant 0 : i32
    %c0_i32_0 = arith.constant 0 : i32
    %c0_i32_1 = arith.constant 0 : i32
    return %c0_i32, %arg0, %c0_i32_0 : i32, i32, i32
  }
  func.func @transform_3(%arg0: i32) -> (i32, i32) {
    %c0_i32 = arith.constant 0 : i32
    %c0_i32_0 = arith.constant 0 : i32
    %c0_i32_1 = arith.constant 0 : i32
    return %c0_i32, %c0_i32_0 : i32, i32
  }
  func.func @transform_4(%arg0: i32) -> (i32, i32) {
    %c0_i32 = arith.constant 0 : i32
    %c0_i32_0 = arith.constant 0 : i32
    return %arg0, %c0_i32 : i32, i32
  }
}

</mosaic_0001>

<sc_bundles>
// kernel: kernel.11.cloned.1.call-start
scs
__scs_entry_jumppad:
0x0: {  	(pc) =	sbr.rel $0x88, $3  }
0x1: {  	(tag) =	ssettag $0x0;
	lr =	simm.s32 $0x1  }
0x2: {  	[smem:$0x3F9B] =	sst lr;
	_ =	strace $0xD0000000  }
0x3: {  	_ = 	snop  }
0x4: {  	_ = 	snop  }
0x5: {  	_ = 	snop  }
0x6: {  	_ = 	snop  }
0x7: {  	_ = 	snop  }
__scs_overlays_trampoline_lowered:
0x8: {  	[smem:$0x3FAA] =	sst s0  }
0x9: {  	[smem:$0x3FAB] =	sst s1  }
0xa: {  	[smem:$0x3FAC] =	sst s2  }
0xb: {  	[smem:$0x3FAD] =	sst s3  }
0xc: {  	[smem:$0x3FAE] =	sst s4  }
0xd: {  	[smem:$0x3FAF] =	sst s5  }
0xe: {  	[smem:$0x3FB0] =	sst s6  }
0xf: {  	[smem:$0x3FB1] =	sst s7  }
0x10: {  	[smem:$0x3FB2] =	sst s8  }
0x11: {  	[smem:$0x3FB3] =	sst s9;
	s0 =	simm.s32 @!p0 $0x0  }
0x12: {  	s1 =	sld [smem:$0x3F99];
	s0 =	simm.s32 @p0 $0x1  }
0x13: {  	[smem:$0x3FB4] =	sst s0;
	s0 =	simm.s32 @!p1 $0x0  }
0x14: {  	s2 =	sld [smem:$0x3F98];
	s0 =	simm.s32 @p1 $0x1  }
0x15: {  	[smem:$0x3FB5] =	sst s0;
	s0 =	simm.s32 @!p2 $0x0  }
0x16: {  	s3 =	sld [smem:$0x3FDB];
	s0 =	simm.s32 @p2 $0x1  }
0x17: {  	s4 =	simm.s32 $0x1BF5;
	[smem:$0x3FB7] =	sst s0  }
0x18: {  	s0 =	sld [smem:$0x3F9A];
	_ =	swait.ge [sflag:s4], $0x0  }
0x19: {  	s7 =	sld [smem:$0x3F9B]  }
0x1a: {  	s8 =	sadd.s32 $0xFFFFE003, lr  }
0x1b: {  	s9 =	sadd.s32 $0xFFFFFEF7, lr;
	s5 =	simm.s32 $0xFFFFFFFF;
	p2 =	slt.u32 s8, $0xFFFFF086  }
0x1c: {  	p1 =	slt.u32 s9, $0xF7A;
	s5 =	simm.s32 @!p2 $0x0  }
0x1d: {  	s5 =	simm.s32 @p1 $0x1;
	p0 =	seq.s32 s7, s2  }
0x1e: {  	s7 =	smul.u32 @!p0 $0xF7A, s2;
	p2 =	seq.s32 @!p0 s5, $0x0  }
0x1f: {  	s9 =	smul.u32 $0xF7A, s1;
	s8 =	simm.s32 @!p0 $0x1BF5;
	p2 =	por !p2, p0  }
0x20: {  	[sflag:s8] =	ssyncset.s32 @!p0 $0xFFFFF086;
	s6 =	sadd.s32 @!p0 s3, s7;
	s7 =	simm.s32 @!p0 $0x108  }
0x21: {  	s3 =	sadd.s32 s3, s9;
	s6 =	sadd.s32 @!p0 $0x88, s6;
	s7 =	simm.s32 @p2 $0x1082  }
0x22: {  	[simem:s7], [sflag:s8] =	dma.local @!p0 [hbm:s6], $0xF7A  }
0x23: {  	s9 =	sor.u32 $0xD0000000, s2;
	s6 =	simm.s32 $0x108;
	_ =	swait.ge @!p0 [sflag:s8], $0x0  }
0x24: {  	s3 =	sadd.s32 $0x88, s3;
	s6 =	simm.s32 @!p1 $0x1082;
	[sflag:s4] =	ssyncset.s32 $0xFFFFF086  }
0x25: {  	[simem:s6], [sflag:s4] =	dma.local [hbm:s3], $0xF7A  }
0x26: {  	[smem:$0x3F9B] =	sst s1;
	(tag) =	ssettag s2;
	_ =	strace s9  }
0x27: {  	s1 =	sld [smem:$0x3FAB]  }
0x28: {  	s2 =	sld [smem:$0x3FAC]  }
0x29: {  	s4 =	sld [smem:$0x3FAE]  }
0x2a: {  	p0 =	seq.s32 s5, $0x0;
	s5 =	sld [smem:$0x3FAF]  }
0x2b: {  	s6 =	sld [smem:$0x3FB0]  }
0x2c: {  	s7 =	sld [smem:$0x3FB1]  }
0x2d: {  	s3 =	simm.s32 $0x108;
	s8 =	sld [smem:$0x3FB2]  }
0x2e: {  	s3 =	simm.s32 @!p0 $0x1082;
	s9 =	sld [smem:$0x3FB3]  }
0x2f: {  	lr =	sadd.s32 s0, s3;
	s0 =	sld [smem:$0x3FAA]  }
0x30: {  	s3 =	sld [smem:$0x3FAD]  }
0x31: {  	[smem:$0x3FB6] =	sst s10  }
0x32: {  	s10 =	sld [smem:$0x3FB4];
	_ =	sdelay $0x3  }
0x33: {  	p0 =	seq.s32 s10, $0x1;
	s10 =	sld [smem:$0x3FB6];
	_ =	sdelay $0x3  }
0x34: {  	[smem:$0x3FB6] =	sst s10  }
0x35: {  	s10 =	sld [smem:$0x3FB5];
	_ =	sdelay $0x3  }
0x36: {  	p1 =	seq.s32 s10, $0x1;
	s10 =	sld [smem:$0x3FB6];
	_ =	sdelay $0x3  }
0x37: {  	[smem:$0x3FB6] =	sst s10  }
0x38: {  	s10 =	sld [smem:$0x3FB7]  }
0x39: {  	_ = 	snop;
	(pc) =	sbr.ind lr, $3  }
0x3a: {  	_ = 	snop  }
0x3b: {  	_ = 	snop  }
0x3c: {  	p2 =	seq.s32 s10, $0x1;
	s10 =	sld [smem:$0x3FB6]  }
0x3d: {  	_ =	shalt  }
0x3e: {  	_ =	shalt  }
0x3f: {  	_ =	shalt  }
0x40: {  	_ =	shalt  }
0x41: {  	_ =	shalt  }
0x42: {  	_ =	shalt  }
0x43: {  	_ =	shalt  }
0x44: {  	_ =	shalt  }
0x45: {  	_ =	shalt  }
0x46: {  	_ =	shalt  }
0x47: {  	_ =	shalt  }
0x48: {  	_ =	shalt  }
0x49: {  	_ =	shalt  }
0x4a: {  	_ =	shalt  }
0x4b: {  	_ =	shalt  }
0x4c: {  	_ =	shalt  }
0x4d: {  	_ =	shalt  }
0x4e: {  	_ =	shalt  }
0x4f: {  	_ =	shalt  }
0x50: {  	_ =	shalt  }
0x51: {  	_ =	shalt  }
0x52: {  	_ =	shalt  }
0x53: {  	_ =	shalt  }
0x54: {  	_ =	shalt  }
0x55: {  	_ =	shalt  }
0x56: {  	_ =	shalt  }
0x57: {  	_ =	shalt  }
0x58: {  	_ =	shalt  }
0x59: {  	_ =	shalt  }
0x5a: {  	_ =	shalt  }
0x5b: {  	_ =	shalt  }
0x5c: {  	_ =	shalt  }
0x5d: {  	_ =	shalt  }
0x5e: {  	_ =	shalt  }
0x5f: {  	_ =	shalt  }
0x60: {  	_ =	shalt  }
0x61: {  	_ =	shalt  }
0x62: {  	_ =	shalt  }
0x63: {  	_ =	shalt  }
0x64: {  	_ =	shalt  }
0x65: {  	_ =	shalt  }
0x66: {  	_ =	shalt  }
0x67: {  	_ =	shalt  }
0x68: {  	_ =	shalt  }
0x69: {  	_ =	shalt  }
0x6a: {  	_ =	shalt  }
0x6b: {  	_ =	shalt  }
0x6c: {  	_ =	shalt  }
0x6d: {  	_ =	shalt  }
0x6e: {  	_ =	shalt  }
0x6f: {  	_ =	shalt  }
0x70: {  	_ =	shalt  }
0x71: {  	_ =	shalt  }
0x72: {  	_ =	shalt  }
0x73: {  	_ =	shalt  }
0x74: {  	_ =	shalt  }
0x75: {  	_ =	shalt  }
0x76: {  	_ =	shalt  }
0x77: {  	_ =	shalt  }
0x78: {  	_ =	shalt  }
0x79: {  	_ =	shalt  }
0x7a: {  	_ =	shalt  }
0x7b: {  	_ =	shalt  }
0x7c: {  	_ =	shalt  }
0x7d: {  	_ =	shalt  }
0x7e: {  	_ =	shalt  }
0x7f: {  	_ =	shalt  }
0x80: {  	_ =	shalt  }
0x81: {  	_ =	shalt  }
0x82: {  	_ =	shalt  }
0x83: {  	_ =	shalt  }
0x84: {  	_ =	shalt  }
0x85: {  	_ =	shalt  }
0x86: {  	_ =	shalt  }
0x87: {  	_ =	shalt  }
.Lfunc_end0:
.L_simem_size_0:
called_computation.1_lowered:
.L_overlay_start_0:
0x88: {  	s2 =	sld [smem:$0x3FD9]  }
0x89: {  	s3 =	sld [smem:$0x3FFE];
	_ =	sdelay $0x1  }
0x8a: {  	s1 =	srdreg.scid  }
0x8b: {  	s0 =	sand.u32 $0x1, s1  }
0x8c: {  	s17 =	sshll.u32 s0, $0xA;
	s2 =	sadd.s32 s3, s2  }
0x8d: {  	s2 =	sadd.s32 s2, s17  }
0x8e: {  	[smem:$0x3FC2] =	sst s2  }
0x8f: {  	_ = 	snop  }
0x90: {  	s2 =	sld [smem:$0x3FD0];
	(tm) =	ssettm $0x1  }
0x91: {  	s18 =	sld [smem:$0x3FFB];
	_ =	sdelay $0x3  }
0x92: {  	_ =	strace s18  }
0x93: {  	s3 =	sld [smem:$0x3FFC];
	_ =	sdelay $0x3  }
0x94: {  	_ =	strace s3  }
0x95: {  	s3 =	sld [smem:$0x3FFD];
	_ =	sdelay $0x3  }
0x96: {  	_ =	strace s3  }
0x97: {  	_ =	strace $0x8FFFFFFF  }
0x98: {  	s19 =	sld [smem:$0x3FDB];
	_ =	sdelay $0x1  }
0x99: {  	s4 =	simm.s32 $_scs_section_size  }
0x9a: {  	s5 =	simm.s32 $_size__tile_overlayer_lowered;
	s6 =	simm.s32 $_tile_overlayer_lowered  }
0x9b: {  	s22 =	simm.s32 $0x1BFF;
	s21 =	sshll.u32 s6, $0x1;
	s3 =	sadd.s32 s4, s19  }
0x9c: {  	s7 =	simm.s32 $0x0;
	s20 =	sshll.u32 s5, $0x1;
	s5 =	sadd.s32 s21, s3  }
0x9d: {  	[timem:s7], [sflag:s22] =	dma.local [hbm:s5], s20  }
0x9e: {  	_ =	swait.ge [sflag:s22], s20  }
0x9f: {  	s4 =	ssub.s32 $0x0, s20;
	[sflag:s22] =	ssyncset.done $0x0  }
0xa0: {  	[sflag:s22] =	ssyncadd.s32 s4;
	_ =	sdelay $0x1  }
0xa1: {  	s23 =	simm.s32 $0x1B8B  }
0xa2: {  	_ =	swait.ge [sflag:s23], $0x1  }
0xa3: {  	[sflag:s23] =	ssyncset.done $0x0  }
0xa4: {  	s25 =	simm.s32 $0x1B8E;
	s24 =	sld [smem:$0x3FFE];
	[sflag:s23] =	ssyncadd.s32 $0xFFFFFFFF  }
0xa5: {  	s26 =	simm.s32 $execute0_lowered;
	[smem:$0x3FD2] =	sst s25  }
0xa6: {  	s5 =	sshll.u32 s26, $0x1;
	_ =	strace $0x80000049;
	[dreg:$0x1] =	wrdreg $0xFFFFFFFF  }
0xa7: {  	s28 =	simm.s32 $_size_execute0_lowered;
	s3 =	sadd.s32 s3, s5;
	[dreg:$0x0] =	wrdreg $0x0  }
0xa8: {  	s5 =	sshll.u32 s28, $0x1;
	[dreg:$0x2] =	wrdreg s3  }
0xa9: {  	[dreg:$0x3] =	wrdreg s5  }
0xaa: {  	[dreg:$0x4] =	wrdreg $0xC0  }
0xab: {  	_ =	task [dreg:s7], $0x5FFFF  }
0xac: {  	[dreg:$0x1] =	wrdreg $0xFFFFFFFF  }
0xad: {  	[dreg:$0x0] =	wrdreg $0x60  }
0xae: {  	[dreg:$0x2] =	wrdreg s2  }
0xaf: {  	[dreg:$0x3] =	wrdreg s24  }
0xb0: {  	[dreg:$0x4] =	wrdreg $0x120000  }
0xb1: {  	[dreg:$0x5] =	wrdreg $0x9  }
0xb2: {  	_ =	task.clear_ibuf [dreg:s7], $0x6FFFF;
	_ =	strace $0x90000049  }
0xb3: {  	s29 =	simm.s32 $0x9;
	_ =	strace $0x8000004B  }
0xb4: {  	_ =	swait.ge [sflag:s29], $0x1  }
0xb5: {  	[sflag:s29] =	ssyncadd.s32 $0xFFFFFFFF  }
0xb6: {  	_ =	strace $0x9000004B  }
0xb7: {  	_ =	sfence  }
0xb8: {  	s30 =	sld [smem:$0x0];
	_ =	sdelay $0x2  }
0xb9: {  	s31 =	sshll.u32 s1, $0xD;
	s1 =	sshrl.u32 s1, $0x2  }
0xba: {  	s3 =	sand.u32 $0x4000, s31;
	s1 =	sadd.s32 s1, s30  }
0xbb: {  	s0 =	sor.u32 s3, s0;
	s1 =	sshll.u32 s1, $0x11  }
0xbc: {  	s0 =	sor.u32 s1, s0  }
0xbd: {  	s0 =	sadd.s32 $0x8F2B, s0  }
0xbe: {  	[sflag:s0] =	ssyncadd.remote.s32 $0x1  }
0xbf: {  	_ =	sfence.sel $0xFFFF  }
0xc0: {  	[dreg:$0x0] =	wrdreg $0xFFFFFFFF;
	(pc) =	sbr.abs _section_cstart, $3  }
0xc1: {  	[dreg:$0x1] =	wrdreg $0xFFFFFFFF  }
0xc2: {  	_ =	task.clear_ibuf [dreg:s7], $0x2FFFF;
	_ =	strace $0x9FFFFFFF  }
0xc3: {  	(tm) =	ssettm $0x7FFFFFFF  }
tec
execute0_lowered:
.L_overlay_start_1:
0x0: {  	(tag) =	ssettag $0x1  }
0x1: {  	s1 =	rddreg [dreg:$0x0]  }
0x2: {  	s0 =	srdreg.scid;
	s2 =	rddreg [dreg:$0x1]  }
0x3: {  	s11 =	stileid.u32;
	s3 =	rddreg [dreg:$0x2];
	s4 =	simm.s32 $0x0  }
0x4: {  	s14 =	simm.s32 $0x80;
	s15 =	simm.s32 $0xA000;
	s16 =	simm.s32 $0xC000  }
0x5: {  	s17 =	simm.s32 $0x1;
	s19 =	simm.s32 $0xE000;
	s20 =	simm.s32 $0x2  }
0x6: {  	s23 =	simm.s32 $0x10000;
	s24 =	simm.s32 $0x3;
	s26 =	simm.s32 $0x5  }
0x7: {  	s29 =	simm.s32 $0x4;
	s31 =	simm.s32 $0x6;
	s18 =	simm.s32 $0x8  }
0x8: {  	s30 =	simm.s32 $0x9F00;
	s21 =	simm.s32 $0x0;
	s5 =	smul.u32 $0x5000, s11  }
0x9: {  	s0 =	sand.u32 $0x1, s0;
	s8 =	smul.u32 $0xA000, s11;
	[smem:$0x7FF] =	sst s4  }
0xa: {  	s28 =	sshll.u32 s11, $0x6;
	s11 =	simm.s32 $0x5000;
	s6 =	smul.u32 $0x50000, s0  }
0xb: {  	s7 =	smul.u32 $0xA0000, s0;
	_ =	strace $0x8000004A;
	s0 =	ssub.s32 $0x2, s0  }
0xc: {  	s12 =	sor.u32 $0x1C09, s28;
	s10 =	sshrl.u32 s0, $0x1;
	s13 =	sadd.s32 s8, s3  }
0xd: {  	s6 =	sadd.s32 s5, s6;
	s5 =	sshrl.u32 s5, $0x3;
	s7 =	sadd.s32 s8, s7  }
0xe: {  	s0 =	ssub.s32 s0, s10;
	s10 =	simm.s32 $0x9;
	s13 =	sshrl.u32 s13, $0x3  }
0xf: {  	s6 =	sshrl.u32 s6, $0x3;
	s9 =	sadd.s32 s5, s2;
	s7 =	sshrl.u32 s7, $0x3  }
0x10: {  	s5 =	sadd.s32 $0x6FC00, s2;
	s6 =	sadd.s32 s6, s2;
	s2 =	sadd.s32 s7, s2  }
0x11: {  	s7 =	sadd.s32 $0x1400, s9;
	s9 =	smax.u32 s0, $0x1;
	s0 =	simm.s32 $0x7  }
0x12: {  	s6 =	sadd.s32 $0xBC00, s6;
	s8 =	sadd.s32 $0x71000, s2;
	s2 =	simm.s32 $0x9F80  }
.LBB2_1:
0x13: {  	[tilespmem:s4], [sflag:$0x9] =	stream.linear.gather [hbm4b:s6+s4], $0x5000, $0x38;
	[tilespmem:$0x1C000] =	vst v63  }
0x14: {  	_ =	swait.ge [sflag:s10], $0x5000  }
0x15: {  	[sflag:s10] =	ssyncset.done $0x0  }
0x16: {  	[sflag:s10] =	ssyncadd.s32 $0xFFFFB000  }
0x17: {  	[tilespmem:s11], [sflag:$0x9] =	stream.linear.gather [hbm4b:s7+s4], $0x5000, $0x38;
	[tilespmem:$0x1C000] =	vst v63  }
0x18: {  	_ =	swait.ge [sflag:s10], $0x5000  }
0x19: {  	[sflag:s10] =	ssyncset.done $0x0  }
0x1a: {  	[sflag:s10] =	ssyncadd.s32 $0xFFFFB000  }
0x1b: {  	[spmem:s13], [sflag:s12] =	dma.local [hbm:s5], $0x1400  }
0x1c: {  	_ =	swait.ge [sflag:s10], $0x1400  }
0x1d: {  	[sflag:s10] =	ssyncset.done $0x0  }
0x1e: {  	[sflag:s10] =	ssyncadd.s32 $0xFFFFEC00  }
0x1f: {  	[bflag:$0x0] =	sbarrier.arrive $0xFFFF  }
0x20: {  	[tilespmem:s15], [sflag:$0x1] =	stream.indirect.gather [hbm4b:s1+s14], $0x40, s4, s14, $0xb8;
	[tilespmem:$0x1C000] =	vst v63  }
0x21: {  	_ = 	snop  }
0x22: {  	[tilespmem:s16], [sflag:$0x2] =	stream.indirect.gather [hbm4b:s1+s14], $0x40, s14, s14, $0xb8;
	[tilespmem:$0x1C000] =	vst v63  }
0x23: {  	_ =	swait.ge [sflag:s17], $0x2000  }
0x24: {  	[sflag:s17] =	ssyncset.done $0x0  }
0x25: {  	[sflag:s17] =	ssyncadd.s32 $0xFFFFE000  }
0x26: {  	[spmem:s3] =	stream.indirect.scatter.add.f32 [tilespmem:s15], [sflag:$0x5], $0x40, s11, s14, $0xb8;
	[tilespmem:$0x1C000] =	vst v63  }
0x27: {  	s22 =	simm.s32 $0x100  }
0x28: {  	[tilespmem:s19], [sflag:$0x3] =	stream.indirect.gather [hbm4b:s1+s14], $0x40, s22, s14, $0xb8;
	[tilespmem:$0x1C000] =	vst v63  }
0x29: {  	_ =	swait.ge [sflag:s20], $0x2000  }
0x2a: {  	[sflag:s20] =	ssyncset.done $0x0  }
0x2b: {  	s28 =	simm.s32 $0x5080;
	[sflag:s20] =	ssyncadd.s32 $0xFFFFE000  }
0x2c: {  	[spmem:s3] =	stream.indirect.scatter.add.f32 [tilespmem:s16], [sflag:$0x6], $0x40, s28, s14, $0xb8;
	[tilespmem:$0x1C000] =	vst v63  }
0x2d: {  	s25 =	simm.s32 $0x180  }
0x2e: {  	[tilespmem:s23], [sflag:$0x4] =	stream.indirect.gather [hbm4b:s1+s14], $0x40, s25, s14, $0xb8;
	[tilespmem:$0x1C000] =	vst v63  }
0x2f: {  	_ =	swait.ge [sflag:s24], $0x2000  }
0x30: {  	[sflag:s24] =	ssyncset.done $0x0  }
0x31: {  	s28 =	simm.s32 $0x5100;
	[sflag:s24] =	ssyncadd.s32 $0xFFFFE000  }
0x32: {  	[spmem:s3] =	stream.indirect.scatter.add.f32 [tilespmem:s19], [sflag:$0x7], $0x40, s28, s14, $0xb8;
	[tilespmem:$0x1C000] =	vst v63  }
0x33: {  	_ =	swait.ge [sflag:s26], $0x2000  }
0x34: {  	[sflag:s26] =	ssyncset.done $0x0  }
0x35: {  	s25 =	simm.s32 $0x200;
	[sflag:s26] =	ssyncadd.s32 $0xFFFFE000  }
0x36: {  	[tilespmem:s15], [sflag:$0x1] =	stream.indirect.gather [hbm4b:s1+s14], $0x40, s25, s14, $0xb8;
	[tilespmem:$0x1C000] =	vst v63  }
0x37: {  	_ =	swait.ge [sflag:s29], $0x2000  }
0x38: {  	[sflag:s29] =	ssyncset.done $0x0  }
0x39: {  	s28 =	simm.s32 $0x5180;
	[sflag:s29] =	ssyncadd.s32 $0xFFFFE000  }
0x3a: {  	[spmem:s3] =	stream.indirect.scatter.add.f32 [tilespmem:s23], [sflag:$0x8], $0x40, s28, s14, $0xb8;
	[tilespmem:$0x1C000] =	vst v63  }
0x3b: {  	_ =	swait.ge [sflag:s31], $0x2000  }
0x3c: {  	[sflag:s31] =	ssyncset.done $0x0  }
0x3d: {  	s25 =	simm.s32 $0x280;
	[sflag:s31] =	ssyncadd.s32 $0xFFFFE000  }
0x3e: {  	[tilespmem:s16], [sflag:$0x2] =	stream.indirect.gather [hbm4b:s1+s14], $0x40, s25, s14, $0xb8;
	[tilespmem:$0x1C000] =	vst v63  }
0x3f: {  	_ =	swait.ge [sflag:s17], $0x2000  }
0x40: {  	[sflag:s17] =	ssyncset.done $0x0  }
0x41: {  	s28 =	simm.s32 $0x5200;
	[sflag:s17] =	ssyncadd.s32 $0xFFFFE000  }
0x42: {  	[spmem:s3] =	stream.indirect.scatter.add.f32 [tilespmem:s15], [sflag:$0x5], $0x40, s28, s14, $0xb8;
	[tilespmem:$0x1C000] =	vst v63  }
0x43: {  	_ =	swait.ge [sflag:s0], $0x2000  }
0x44: {  	[sflag:s0] =	ssyncset.done $0x0  }
0x45: {  	s25 =	simm.s32 $0x300;
	[sflag:s0] =	ssyncadd.s32 $0xFFFFE000  }
0x46: {  	[tilespmem:s19], [sflag:$0x3] =	stream.indirect.gather [hbm4b:s1+s14], $0x40, s25, s14, $0xb8;
	[tilespmem:$0x1C000] =	vst v63  }
0x47: {  	_ =	swait.ge [sflag:s20], $0x2000  }
0x48: {  	[sflag:s20] =	ssyncset.done $0x0  }
0x49: {  	s28 =	simm.s32 $0x5280;
	[sflag:s20] =	ssyncadd.s32 $0xFFFFE000  }
0x4a: {  	[spmem:s3] =	stream.indirect.scatter.add.f32 [tilespmem:s16], [sflag:$0x6], $0x40, s28, s14, $0xb8;
	[tilespmem:$0x1C000] =	vst v63  }
0x4b: {  	_ =	swait.ge [sflag:s18], $0x2000  }
0x4c: {  	[sflag:s18] =	ssyncset.done $0x0  }
0x4d: {  	s25 =	simm.s32 $0x380;
	[sflag:s18] =	ssyncadd.s32 $0xFFFFE000  }
0x4e: {  	[tilespmem:s23], [sflag:$0x4] =	stream.indirect.gather [hbm4b:s1+s14], $0x40, s25, s14, $0xb8;
	[tilespmem:$0x1C000] =	vst v63  }
0x4f: {  	_ =	swait.ge [sflag:s24], $0x2000  }
0x50: {  	[sflag:s24] =	ssyncset.done $0x0  }
0x51: {  	s28 =	simm.s32 $0x5300;
	[sflag:s24] =	ssyncadd.s32 $0xFFFFE000  }
0x52: {  	[spmem:s3] =	stream.indirect.scatter.add.f32 [tilespmem:s19], [sflag:$0x7], $0x40, s28, s14, $0xb8;
	[tilespmem:$0x1C000] =	vst v63  }
0x53: {  	_ =	swait.ge [sflag:s26], $0x2000  }
0x54: {  	[sflag:s26] =	ssyncset.done $0x0  }
0x55: {  	s25 =	simm.s32 $0x400;
	[sflag:s26] =	ssyncadd.s32 $0xFFFFE000  }
0x56: {  	[tilespmem:s15], [sflag:$0x1] =	stream.indirect.gather [hbm4b:s1+s14], $0x40, s25, s14, $0xb8;
	[tilespmem:$0x1C000] =	vst v63  }
0x57: {  	_ =	swait.ge [sflag:s29], $0x2000  }
0x58: {  	[sflag:s29] =	ssyncset.done $0x0  }
0x59: {  	s28 =	simm.s32 $0x5380;
	[sflag:s29] =	ssyncadd.s32 $0xFFFFE000  }
0x5a: {  	[spmem:s3] =	stream.indirect.scatter.add.f32 [tilespmem:s23], [sflag:$0x8], $0x40, s28, s14, $0xb8;
	[tilespmem:$0x1C000] =	vst v63  }
0x5b: {  	_ =	swait.ge [sflag:s31], $0x2000  }
0x5c: {  	[sflag:s31] =	ssyncset.done $0x0  }
0x5d: {  	s22 =	simm.s32 $0x800;
	s25 =	simm.s32 $0x480;
	[sflag:s31] =	ssyncadd.s32 $0xFFFFE000  }
.LBB2_2:
0x5e: {  	[tilespmem:s16], [sflag:$0x2] =	stream.indirect.gather [hbm4b:s1+s14], $0x40, s25, s14, $0xb8;
	[tilespmem:$0x1C000] =	vst v63  }
0x5f: {  	s25 =	smov.u32 s22  }
0x60: {  	p0 =	sne.s32 s22, $0x12800;
	s22 =	sadd.s32 $0x800, s22;
	_ =	swait.ge [sflag:s17], $0x2000  }
0x61: {  	s25 =	sshra.s32 s25, $0x2;
	[sflag:s17] =	ssyncset.done $0x0  }
0x62: {  	s28 =	sadd.s32 $0x5200, s25;
	[sflag:s17] =	ssyncadd.s32 $0xFFFFE000  }
0x63: {  	[spmem:s3] =	stream.indirect.scatter.add.f32 [tilespmem:s15], [sflag:$0x5], $0x40, s28, s14, $0xb8;
	[tilespmem:$0x1C000] =	vst v63  }
0x64: {  	_ =	swait.ge [sflag:s0], $0x2000  }
0x65: {  	[sflag:s0] =	ssyncset.done $0x0  }
0x66: {  	s28 =	sadd.s32 $0x300, s25;
	[sflag:s0] =	ssyncadd.s32 $0xFFFFE000  }
0x67: {  	[tilespmem:s19], [sflag:$0x3] =	stream.indirect.gather [hbm4b:s1+s14], $0x40, s28, s14, $0xb8;
	[tilespmem:$0x1C000] =	vst v63  }
0x68: {  	_ =	swait.ge [sflag:s20], $0x2000  }
0x69: {  	[sflag:s20] =	ssyncset.done $0x0  }
0x6a: {  	s28 =	sadd.s32 $0x5280, s25;
	[sflag:s20] =	ssyncadd.s32 $0xFFFFE000  }
0x6b: {  	[spmem:s3] =	stream.indirect.scatter.add.f32 [tilespmem:s16], [sflag:$0x6], $0x40, s28, s14, $0xb8;
	[tilespmem:$0x1C000] =	vst v63  }
0x6c: {  	_ =	swait.ge [sflag:s18], $0x2000  }
0x6d: {  	[sflag:s18] =	ssyncset.done $0x0  }
0x6e: {  	s28 =	sadd.s32 $0x380, s25;
	[sflag:s18] =	ssyncadd.s32 $0xFFFFE000  }
0x6f: {  	[tilespmem:s23], [sflag:$0x4] =	stream.indirect.gather [hbm4b:s1+s14], $0x40, s28, s14, $0xb8;
	[tilespmem:$0x1C000] =	vst v63  }
0x70: {  	_ =	swait.ge [sflag:s24], $0x2000  }
0x71: {  	[sflag:s24] =	ssyncset.done $0x0  }
0x72: {  	s28 =	sadd.s32 $0x5300, s25;
	[sflag:s24] =	ssyncadd.s32 $0xFFFFE000  }
0x73: {  	[spmem:s3] =	stream.indirect.scatter.add.f32 [tilespmem:s19], [sflag:$0x7], $0x40, s28, s14, $0xb8;
	[tilespmem:$0x1C000] =	vst v63  }
0x74: {  	_ =	swait.ge [sflag:s26], $0x2000  }
0x75: {  	[sflag:s26] =	ssyncset.done $0x0  }
0x76: {  	s28 =	sadd.s32 $0x400, s25;
	[sflag:s26] =	ssyncadd.s32 $0xFFFFE000  }
0x77: {  	[tilespmem:s15], [sflag:$0x1] =	stream.indirect.gather [hbm4b:s1+s14], $0x40, s28, s14, $0xb8;
	[tilespmem:$0x1C000] =	vst v63  }
0x78: {  	_ =	swait.ge [sflag:s29], $0x2000  }
0x79: {  	[sflag:s29] =	ssyncset.done $0x0  }
.Ltmp0:
0x7a: {  	s28 =	sadd.s32 $0x5380, s25;
	[sflag:s29] =	ssyncadd.s32 $0xFFFFE000;
	(pc) =	sbr.rel @p0 .LBB2_2-.Ltmp0, $4  }
0x7b: {  	[spmem:s3] =	stream.indirect.scatter.add.f32 [tilespmem:s23], [sflag:$0x8], $0x40, s28, s14, $0xb8;
	[tilespmem:$0x1C000] =	vst v63  }
0x7c: {  	_ =	swait.ge [sflag:s31], $0x2000  }
0x7d: {  	[sflag:s31] =	ssyncset.done $0x0  }
0x7e: {  	s25 =	sadd.s32 $0x480, s25;
	[sflag:s31] =	ssyncadd.s32 $0xFFFFE000  }
0x7f: {  	[tilespmem:s16], [sflag:$0x2] =	stream.indirect.gather [hbm4b:s1+s14], $0x40, s25, s14, $0xb8;
	[tilespmem:$0x1C000] =	vst v63  }
0x80: {  	_ =	swait.ge [sflag:s17], $0x2000  }
0x81: {  	[sflag:s17] =	ssyncset.done $0x0  }
0x82: {  	s22 =	simm.s32 $0x9E00;
	[sflag:s17] =	ssyncadd.s32 $0xFFFFE000  }
0x83: {  	[spmem:s3] =	stream.indirect.scatter.add.f32 [tilespmem:s15], [sflag:$0x5], $0x40, s22, s14, $0xb8;
	[tilespmem:$0x1C000] =	vst v63  }
0x84: {  	_ =	swait.ge [sflag:s0], $0x2000  }
0x85: {  	[sflag:s0] =	ssyncset.done $0x0  }
0x86: {  	s28 =	simm.s32 $0x4F00;
	[sflag:s0] =	ssyncadd.s32 $0xFFFFE000  }
0x87: {  	[tilespmem:s19], [sflag:$0x3] =	stream.indirect.gather [hbm4b:s1+s14], $0x40, s28, s14, $0xb8;
	[tilespmem:$0x1C000] =	vst v63  }
0x88: {  	_ =	swait.ge [sflag:s20], $0x2000  }
0x89: {  	[sflag:s20] =	ssyncset.done $0x0  }
0x8a: {  	s25 =	simm.s32 $0x9E80;
	[sflag:s20] =	ssyncadd.s32 $0xFFFFE000  }
0x8b: {  	[spmem:s3] =	stream.indirect.scatter.add.f32 [tilespmem:s16], [sflag:$0x6], $0x40, s25, s14, $0xb8;
	[tilespmem:$0x1C000] =	vst v63  }
0x8c: {  	_ =	swait.ge [sflag:s18], $0x2000  }
0x8d: {  	[sflag:s18] =	ssyncset.done $0x0  }
0x8e: {  	s28 =	simm.s32 $0x4F80;
	[sflag:s18] =	ssyncadd.s32 $0xFFFFE000  }
0x8f: {  	[tilespmem:s23], [sflag:$0x4] =	stream.indirect.gather [hbm4b:s1+s14], $0x40, s28, s14, $0xb8;
	[tilespmem:$0x1C000] =	vst v63  }
0x90: {  	_ =	swait.ge [sflag:s24], $0x2000  }
0x91: {  	[sflag:s24] =	ssyncset.done $0x0  }
0x92: {  	[sflag:s24] =	ssyncadd.s32 $0xFFFFE000  }
0x93: {  	[spmem:s3] =	stream.indirect.scatter.add.f32 [tilespmem:s19], [sflag:$0x7], $0x40, s30, s14, $0xb8;
	[tilespmem:$0x1C000] =	vst v63  }
0x94: {  	_ =	swait.ge [sflag:s26], $0x2000  }
0x95: {  	[sflag:s26] =	ssyncset.done $0x0  }
0x96: {  	[sflag:s26] =	ssyncadd.s32 $0xFFFFE000  }
0x97: {  	_ =	swait.ge [sflag:s29], $0x2000  }
0x98: {  	[sflag:s29] =	ssyncset.done $0x0  }
0x99: {  	[sflag:s29] =	ssyncadd.s32 $0xFFFFE000  }
0x9a: {  	[spmem:s3] =	stream.indirect.scatter.add.f32 [tilespmem:s23], [sflag:$0x8], $0x40, s2, s14, $0xb8;
	[tilespmem:$0x1C000] =	vst v63  }
0x9b: {  	_ =	swait.ge [sflag:s31], $0x2000  }
0x9c: {  	[sflag:s31] =	ssyncset.done $0x0  }
0x9d: {  	[sflag:s31] =	ssyncadd.s32 $0xFFFFE000  }
0x9e: {  	_ =	swait.ge [sflag:s0], $0x2000  }
0x9f: {  	[sflag:s0] =	ssyncset.done $0x0  }
0xa0: {  	[sflag:s0] =	ssyncadd.s32 $0xFFFFE000  }
0xa1: {  	_ =	swait.ge [sflag:s18], $0x2000  }
0xa2: {  	s21 =	sadd.s32 $0x1, s21;
	[sflag:s18] =	ssyncset.done $0x0  }
0xa3: {  	p0 =	sne.s32 s21, s9;
	[sflag:s18] =	ssyncadd.s32 $0xFFFFE000  }
.Ltmp1:
0xa4: {  	[bflag:$0x0] =	sbarrier.arrive $0xFFFF;
	(pc) =	sbr.rel @p0 .LBB2_1-.Ltmp1, $4  }
0xa5: {  	[hbm:s8], [sflag:s12] =	dma.local [spmem:s13], $0x1400  }
0xa6: {  	_ =	swait.ge [sflag:s10], $0x1400  }
0xa7: {  	[sflag:s10] =	ssyncset.done $0x0  }
0xa8: {  	[sflag:s10] =	ssyncadd.s32 $0xFFFFEC00  }
0xa9: {  	_ =	sfence.sel $0x180000  }
0xaa: {  	[bflag:$0x0] =	sbarrier.arrive $0xFFFF  }
0xab: {  	_ =	strace $0x9000004A  }
0xac: {  	s0 =	stileid.u32;
	[bflag:$0x2] =	sbarrier.arrive $0xFFFF  }
0xad: {  	p0 =	sne.s32 s0, $0x0;
	s0 =	rddreg [dreg:$0x3]  }
0xae: {  	s0 =	sadd.s32 @!p0 $0x100000, s0  }
0xaf: {  	[sflag:s0] =	ssyncadd.tile.s32 @!p0 $0x1;
	_ =	shalt  }
.Lfunc_end2:
_tile_overlayer_lowered:
.L_overlay_start_2:
0xb0: {  	(tag) =	ssettag $0x2  }
0xb1: {  	s0 =	rddreg [dreg:$0x0];
	s2 =	stileid.u32  }
0xb2: {  	s1 =	rddreg [dreg:$0x1];
	p0 =	sne.s32 s2, $0x0  }
0xb3: {  	s3 =	rddreg [dreg:$0x2];
	[bflag:$0x3] =	sbarrier.arrive $0xFFFF;
	s2 =	simm.s32 @!p0 $0x1C09  }
0xb4: {  	[timem:s3], [sflag:s2] =	dma.local @!p0 [hbm:s0], s1  }
0xb5: {  	s0 =	simm.s32 @!p0 $0x9  }
0xb6: {  	_ =	swait.ge @!p0 [sflag:s0], s1  }
0xb7: {  	s1 =	ssub.s32 @!p0 $0x0, s1;
	[sflag:s0] =	ssyncset.done @!p0 $0x0  }
0xb8: {  	[sflag:s0] =	ssyncadd.s32 @!p0 s1  }
0xb9: {  	[bflag:$0x3] =	sbarrier.arrive $0xFFFF  }
0xba: {  	_ =	shalt  }

// kernel: kernel.14.cloned.1.call-start
scs
__scs_entry_jumppad:
0x0: {  	(pc) =	sbr.rel $0x88, $3  }
0x1: {  	(tag) =	ssettag $0x0;
	lr =	simm.s32 $0x1  }
0x2: {  	[smem:$0x3F9B] =	sst lr;
	_ =	strace $0xD0000000  }
0x3: {  	_ = 	snop  }
0x4: {  	_ = 	snop  }
0x5: {  	_ = 	snop  }
0x6: {  	_ = 	snop  }
0x7: {  	_ = 	snop  }
__scs_overlays_trampoline_lowered:
0x8: {  	[smem:$0x3FAA] =	sst s0  }
0x9: {  	[smem:$0x3FAB] =	sst s1  }
0xa: {  	[smem:$0x3FAC] =	sst s2  }
0xb: {  	[smem:$0x3FAD] =	sst s3  }
0xc: {  	[smem:$0x3FAE] =	sst s4  }
0xd: {  	[smem:$0x3FAF] =	sst s5  }
0xe: {  	[smem:$0x3FB0] =	sst s6  }
0xf: {  	[smem:$0x3FB1] =	sst s7  }
0x10: {  	[smem:$0x3FB2] =	sst s8  }
0x11: {  	[smem:$0x3FB3] =	sst s9;
	s0 =	simm.s32 @!p0 $0x0  }
0x12: {  	s1 =	sld [smem:$0x3F99];
	s0 =	simm.s32 @p0 $0x1  }
0x13: {  	[smem:$0x3FB4] =	sst s0;
	s0 =	simm.s32 @!p1 $0x0  }
0x14: {  	s2 =	sld [smem:$0x3F98];
	s0 =	simm.s32 @p1 $0x1  }
0x15: {  	[smem:$0x3FB5] =	sst s0;
	s0 =	simm.s32 @!p2 $0x0  }
0x16: {  	s3 =	sld [smem:$0x3FDB];
	s0 =	simm.s32 @p2 $0x1  }
0x17: {  	s4 =	simm.s32 $0x1BF5;
	[smem:$0x3FB7] =	sst s0  }
0x18: {  	s0 =	sld [smem:$0x3F9A];
	_ =	swait.ge [sflag:s4], $0x0  }
0x19: {  	s7 =	sld [smem:$0x3F9B]  }
0x1a: {  	s8 =	sadd.s32 $0xFFFFE003, lr  }
0x1b: {  	s9 =	sadd.s32 $0xFFFFFEF7, lr;
	s5 =	simm.s32 $0xFFFFFFFF;
	p2 =	slt.u32 s8, $0xFFFFF086  }
0x1c: {  	p1 =	slt.u32 s9, $0xF7A;
	s5 =	simm.s32 @!p2 $0x0  }
0x1d: {  	s5 =	simm.s32 @p1 $0x1;
	p0 =	seq.s32 s7, s2  }
0x1e: {  	s7 =	smul.u32 @!p0 $0xF7A, s2;
	p2 =	seq.s32 @!p0 s5, $0x0  }
0x1f: {  	s9 =	smul.u32 $0xF7A, s1;
	s8 =	simm.s32 @!p0 $0x1BF5;
	p2 =	por !p2, p0  }
0x20: {  	[sflag:s8] =	ssyncset.s32 @!p0 $0xFFFFF086;
	s6 =	sadd.s32 @!p0 s3, s7;
	s7 =	simm.s32 @!p0 $0x108  }
0x21: {  	s3 =	sadd.s32 s3, s9;
	s6 =	sadd.s32 @!p0 $0x88, s6;
	s7 =	simm.s32 @p2 $0x1082  }
0x22: {  	[simem:s7], [sflag:s8] =	dma.local @!p0 [hbm:s6], $0xF7A  }
0x23: {  	s9 =	sor.u32 $0xD0000000, s2;
	s6 =	simm.s32 $0x108;
	_ =	swait.ge @!p0 [sflag:s8], $0x0  }
0x24: {  	s3 =	sadd.s32 $0x88, s3;
	s6 =	simm.s32 @!p1 $0x1082;
	[sflag:s4] =	ssyncset.s32 $0xFFFFF086  }
0x25: {  	[simem:s6], [sflag:s4] =	dma.local [hbm:s3], $0xF7A  }
0x26: {  	[smem:$0x3F9B] =	sst s1;
	(tag) =	ssettag s2;
	_ =	strace s9  }
0x27: {  	s1 =	sld [smem:$0x3FAB]  }
0x28: {  	s2 =	sld [smem:$0x3FAC]  }
0x29: {  	s4 =	sld [smem:$0x3FAE]  }
0x2a: {  	p0 =	seq.s32 s5, $0x0;
	s5 =	sld [smem:$0x3FAF]  }
0x2b: {  	s6 =	sld [smem:$0x3FB0]  }
0x2c: {  	s7 =	sld [smem:$0x3FB1]  }
0x2d: {  	s3 =	simm.s32 $0x108;
	s8 =	sld [smem:$0x3FB2]  }
0x2e: {  	s3 =	simm.s32 @!p0 $0x1082;
	s9 =	sld [smem:$0x3FB3]  }
0x2f: {  	lr =	sadd.s32 s0, s3;
	s0 =	sld [smem:$0x3FAA]  }
0x30: {  	s3 =	sld [smem:$0x3FAD]  }
0x31: {  	[smem:$0x3FB6] =	sst s10  }
0x32: {  	s10 =	sld [smem:$0x3FB4];
	_ =	sdelay $0x3  }
0x33: {  	p0 =	seq.s32 s10, $0x1;
	s10 =	sld [smem:$0x3FB6];
	_ =	sdelay $0x3  }
0x34: {  	[smem:$0x3FB6] =	sst s10  }
0x35: {  	s10 =	sld [smem:$0x3FB5];
	_ =	sdelay $0x3  }
0x36: {  	p1 =	seq.s32 s10, $0x1;
	s10 =	sld [smem:$0x3FB6];
	_ =	sdelay $0x3  }
0x37: {  	[smem:$0x3FB6] =	sst s10  }
0x38: {  	s10 =	sld [smem:$0x3FB7]  }
0x39: {  	_ = 	snop;
	(pc) =	sbr.ind lr, $3  }
0x3a: {  	_ = 	snop  }
0x3b: {  	_ = 	snop  }
0x3c: {  	p2 =	seq.s32 s10, $0x1;
	s10 =	sld [smem:$0x3FB6]  }
0x3d: {  	_ =	shalt  }
0x3e: {  	_ =	shalt  }
0x3f: {  	_ =	shalt  }
0x40: {  	_ =	shalt  }
0x41: {  	_ =	shalt  }
0x42: {  	_ =	shalt  }
0x43: {  	_ =	shalt  }
0x44: {  	_ =	shalt  }
0x45: {  	_ =	shalt  }
0x46: {  	_ =	shalt  }
0x47: {  	_ =	shalt  }
0x48: {  	_ =	shalt  }
0x49: {  	_ =	shalt  }
0x4a: {  	_ =	shalt  }
0x4b: {  	_ =	shalt  }
0x4c: {  	_ =	shalt  }
0x4d: {  	_ =	shalt  }
0x4e: {  	_ =	shalt  }
0x4f: {  	_ =	shalt  }
0x50: {  	_ =	shalt  }
0x51: {  	_ =	shalt  }
0x52: {  	_ =	shalt  }
0x53: {  	_ =	shalt  }
0x54: {  	_ =	shalt  }
0x55: {  	_ =	shalt  }
0x56: {  	_ =	shalt  }
0x57: {  	_ =	shalt  }
0x58: {  	_ =	shalt  }
0x59: {  	_ =	shalt  }
0x5a: {  	_ =	shalt  }
0x5b: {  	_ =	shalt  }
0x5c: {  	_ =	shalt  }
0x5d: {  	_ =	shalt  }
0x5e: {  	_ =	shalt  }
0x5f: {  	_ =	shalt  }
0x60: {  	_ =	shalt  }
0x61: {  	_ =	shalt  }
0x62: {  	_ =	shalt  }
0x63: {  	_ =	shalt  }
0x64: {  	_ =	shalt  }
0x65: {  	_ =	shalt  }
0x66: {  	_ =	shalt  }
0x67: {  	_ =	shalt  }
0x68: {  	_ =	shalt  }
0x69: {  	_ =	shalt  }
0x6a: {  	_ =	shalt  }
0x6b: {  	_ =	shalt  }
0x6c: {  	_ =	shalt  }
0x6d: {  	_ =	shalt  }
0x6e: {  	_ =	shalt  }
0x6f: {  	_ =	shalt  }
0x70: {  	_ =	shalt  }
0x71: {  	_ =	shalt  }
0x72: {  	_ =	shalt  }
0x73: {  	_ =	shalt  }
0x74: {  	_ =	shalt  }
0x75: {  	_ =	shalt  }
0x76: {  	_ =	shalt  }
0x77: {  	_ =	shalt  }
0x78: {  	_ =	shalt  }
0x79: {  	_ =	shalt  }
0x7a: {  	_ =	shalt  }
0x7b: {  	_ =	shalt  }
0x7c: {  	_ =	shalt  }
0x7d: {  	_ =	shalt  }
0x7e: {  	_ =	shalt  }
0x7f: {  	_ =	shalt  }
0x80: {  	_ =	shalt  }
0x81: {  	_ =	shalt  }
0x82: {  	_ =	shalt  }
0x83: {  	_ =	shalt  }
0x84: {  	_ =	shalt  }
0x85: {  	_ =	shalt  }
0x86: {  	_ =	shalt  }
0x87: {  	_ =	shalt  }
.Lfunc_end0:
.L_simem_size_0:
called_computation.2_lowered:
.L_overlay_start_0:
0x88: {  	s2 =	sld [smem:$0x3FD9]  }
0x89: {  	s3 =	sld [smem:$0x3FFE];
	_ =	sdelay $0x1  }
0x8a: {  	s1 =	srdreg.scid  }
0x8b: {  	s0 =	sand.u32 $0x1, s1  }
0x8c: {  	s17 =	sshll.u32 s0, $0xA;
	s2 =	sadd.s32 s3, s2  }
0x8d: {  	s2 =	sadd.s32 s2, s17  }
0x8e: {  	[smem:$0x3FC2] =	sst s2  }
0x8f: {  	_ = 	snop  }
0x90: {  	s2 =	sld [smem:$0x3FD0];
	(tm) =	ssettm $0x1  }
0x91: {  	s18 =	sld [smem:$0x3FFB];
	_ =	sdelay $0x3  }
0x92: {  	_ =	strace s18  }
0x93: {  	s3 =	sld [smem:$0x3FFC];
	_ =	sdelay $0x3  }
0x94: {  	_ =	strace s3  }
0x95: {  	s3 =	sld [smem:$0x3FFD];
	_ =	sdelay $0x3  }
0x96: {  	_ =	strace s3  }
0x97: {  	_ =	strace $0x8FFFFFFF  }
0x98: {  	s19 =	sld [smem:$0x3FDB];
	_ =	sdelay $0x1  }
0x99: {  	s4 =	simm.s32 $_scs_section_size  }
0x9a: {  	s5 =	simm.s32 $_size__tile_overlayer_lowered;
	s6 =	simm.s32 $_tile_overlayer_lowered  }
0x9b: {  	s22 =	simm.s32 $0x1BFF;
	s21 =	sshll.u32 s6, $0x1;
	s3 =	sadd.s32 s4, s19  }
0x9c: {  	s7 =	simm.s32 $0x0;
	s20 =	sshll.u32 s5, $0x1;
	s5 =	sadd.s32 s21, s3  }
0x9d: {  	[timem:s7], [sflag:s22] =	dma.local [hbm:s5], s20  }
0x9e: {  	_ =	swait.ge [sflag:s22], s20  }
0x9f: {  	s4 =	ssub.s32 $0x0, s20;
	[sflag:s22] =	ssyncset.done $0x0  }
0xa0: {  	[sflag:s22] =	ssyncadd.s32 s4;
	_ =	sdelay $0x1  }
0xa1: {  	s23 =	simm.s32 $0x1B8B  }
0xa2: {  	_ =	swait.ge [sflag:s23], $0x1  }
0xa3: {  	[sflag:s23] =	ssyncset.done $0x0  }
0xa4: {  	s25 =	simm.s32 $0x1B8E;
	s24 =	sld [smem:$0x3FFE];
	[sflag:s23] =	ssyncadd.s32 $0xFFFFFFFF  }
0xa5: {  	s26 =	simm.s32 $execute0_lowered;
	[smem:$0x3FD2] =	sst s25  }
0xa6: {  	s5 =	sshll.u32 s26, $0x1;
	_ =	strace $0x8000004C;
	[dreg:$0x1] =	wrdreg $0xFFFFFFFF  }
0xa7: {  	s28 =	simm.s32 $_size_execute0_lowered;
	s3 =	sadd.s32 s3, s5;
	[dreg:$0x0] =	wrdreg $0x0  }
0xa8: {  	s5 =	sshll.u32 s28, $0x1;
	[dreg:$0x2] =	wrdreg s3  }
0xa9: {  	[dreg:$0x3] =	wrdreg s5  }
0xaa: {  	[dreg:$0x4] =	wrdreg $0xC0  }
0xab: {  	_ =	task [dreg:s7], $0x5FFFF  }
0xac: {  	[dreg:$0x1] =	wrdreg $0xFFFFFFFF  }
0xad: {  	[dreg:$0x0] =	wrdreg $0x60  }
0xae: {  	[dreg:$0x2] =	wrdreg s2  }
0xaf: {  	[dreg:$0x3] =	wrdreg s24  }
0xb0: {  	[dreg:$0x4] =	wrdreg $0x120000  }
0xb1: {  	[dreg:$0x5] =	wrdreg $0x9  }
0xb2: {  	_ =	task.clear_ibuf [dreg:s7], $0x6FFFF;
	_ =	strace $0x9000004C  }
0xb3: {  	s29 =	simm.s32 $0x9;
	_ =	strace $0x8000004E  }
0xb4: {  	_ =	swait.ge [sflag:s29], $0x1  }
0xb5: {  	[sflag:s29] =	ssyncadd.s32 $0xFFFFFFFF  }
0xb6: {  	_ =	strace $0x9000004E  }
0xb7: {  	_ =	sfence  }
0xb8: {  	s30 =	sld [smem:$0x0];
	_ =	sdelay $0x2  }
0xb9: {  	s31 =	sshll.u32 s1, $0xD;
	s1 =	sshrl.u32 s1, $0x2  }
0xba: {  	s3 =	sand.u32 $0x4000, s31;
	s1 =	sadd.s32 s1, s30  }
0xbb: {  	s0 =	sor.u32 s3, s0;
	s1 =	sshll.u32 s1, $0x11  }
0xbc: {  	s0 =	sor.u32 s1, s0  }
0xbd: {  	s0 =	sadd.s32 $0x8F2B, s0  }
0xbe: {  	[sflag:s0] =	ssyncadd.remote.s32 $0x1  }
0xbf: {  	_ =	sfence.sel $0xFFFF  }
0xc0: {  	[dreg:$0x0] =	wrdreg $0xFFFFFFFF;
	(pc) =	sbr.abs _section_cstart, $3  }
0xc1: {  	[dreg:$0x1] =	wrdreg $0xFFFFFFFF  }
0xc2: {  	_ =	task.clear_ibuf [dreg:s7], $0x2FFFF;
	_ =	strace $0x9FFFFFFF  }
0xc3: {  	(tm) =	ssettm $0x7FFFFFFF  }
tec
execute0_lowered:
.L_overlay_start_1:
0x0: {  	(tag) =	ssettag $0x1  }
0x1: {  	s1 =	rddreg [dreg:$0x0]  }
0x2: {  	s0 =	srdreg.scid;
	s2 =	rddreg [dreg:$0x1]  }
0x3: {  	s11 =	stileid.u32;
	s3 =	rddreg [dreg:$0x2];
	s4 =	simm.s32 $0x0  }
0x4: {  	s14 =	simm.s32 $0x80;
	s15 =	simm.s32 $0xA000;
	s16 =	simm.s32 $0xC000  }
0x5: {  	s17 =	simm.s32 $0x1;
	s19 =	simm.s32 $0xE000;
	s20 =	simm.s32 $0x2  }
0x6: {  	s23 =	simm.s32 $0x10000;
	s24 =	simm.s32 $0x3;
	s26 =	simm.s32 $0x5  }
0x7: {  	s29 =	simm.s32 $0x4;
	s31 =	simm.s32 $0x6;
	s18 =	simm.s32 $0x8  }
0x8: {  	s30 =	simm.s32 $0x9F00;
	s21 =	simm.s32 $0x0;
	s5 =	smul.u32 $0x5000, s11  }
0x9: {  	s0 =	sand.u32 $0x1, s0;
	s8 =	smul.u32 $0xA000, s11;
	[smem:$0x7FF] =	sst s4  }
0xa: {  	s28 =	sshll.u32 s11, $0x6;
	s11 =	simm.s32 $0x5000;
	s6 =	smul.u32 $0x50000, s0  }
0xb: {  	s7 =	smul.u32 $0xA0000, s0;
	_ =	strace $0x8000004D;
	s0 =	ssub.s32 $0x2, s0  }
0xc: {  	s12 =	sor.u32 $0x1C09, s28;
	s10 =	sshrl.u32 s0, $0x1;
	s13 =	sadd.s32 s8, s3  }
0xd: {  	s6 =	sadd.s32 s5, s6;
	s5 =	sshrl.u32 s5, $0x3;
	s7 =	sadd.s32 s8, s7  }
0xe: {  	s0 =	ssub.s32 s0, s10;
	s10 =	simm.s32 $0x9;
	s13 =	sshrl.u32 s13, $0x3  }
0xf: {  	s6 =	sshrl.u32 s6, $0x3;
	s9 =	sadd.s32 s5, s2;
	s7 =	sshrl.u32 s7, $0x3  }
0x10: {  	s5 =	sadd.s32 $0x6FC00, s2;
	s6 =	sadd.s32 s6, s2;
	s2 =	sadd.s32 s7, s2  }
0x11: {  	s7 =	sadd.s32 $0x1400, s9;
	s9 =	smax.u32 s0, $0x1;
	s0 =	simm.s32 $0x7  }
0x12: {  	s6 =	sadd.s32 $0xBC00, s6;
	s8 =	sadd.s32 $0x71000, s2;
	s2 =	simm.s32 $0x9F80  }
.LBB2_1:
0x13: {  	[tilespmem:s4], [sflag:$0x9] =	stream.linear.gather [hbm4b:s6+s4], $0x5000, $0x38;
	[tilespmem:$0x1C000] =	vst v63  }
0x14: {  	_ =	swait.ge [sflag:s10], $0x5000  }
0x15: {  	[sflag:s10] =	ssyncset.done $0x0  }
0x16: {  	[sflag:s10] =	ssyncadd.s32 $0xFFFFB000  }
0x17: {  	[tilespmem:s11], [sflag:$0x9] =	stream.linear.gather [hbm4b:s7+s4], $0x5000, $0x38;
	[tilespmem:$0x1C000] =	vst v63  }
0x18: {  	_ =	swait.ge [sflag:s10], $0x5000  }
0x19: {  	[sflag:s10] =	ssyncset.done $0x0  }
0x1a: {  	[sflag:s10] =	ssyncadd.s32 $0xFFFFB000  }
0x1b: {  	[spmem:s13], [sflag:s12] =	dma.local [hbm:s5], $0x1400  }
0x1c: {  	_ =	swait.ge [sflag:s10], $0x1400  }
0x1d: {  	[sflag:s10] =	ssyncset.done $0x0  }
0x1e: {  	[sflag:s10] =	ssyncadd.s32 $0xFFFFEC00  }
0x1f: {  	[bflag:$0x0] =	sbarrier.arrive $0xFFFF  }
0x20: {  	[tilespmem:s15], [sflag:$0x1] =	stream.indirect.gather [hbm4b:s1+s14], $0x40, s4, s14, $0xb8;
	[tilespmem:$0x1C000] =	vst v63  }
0x21: {  	_ = 	snop  }
0x22: {  	[tilespmem:s16], [sflag:$0x2] =	stream.indirect.gather [hbm4b:s1+s14], $0x40, s14, s14, $0xb8;
	[tilespmem:$0x1C000] =	vst v63  }
0x23: {  	_ =	swait.ge [sflag:s17], $0x2000  }
0x24: {  	[sflag:s17] =	ssyncset.done $0x0  }
0x25: {  	[sflag:s17] =	ssyncadd.s32 $0xFFFFE000  }
0x26: {  	[spmem:s3] =	stream.indirect.scatter.add.f32 [tilespmem:s15], [sflag:$0x5], $0x40, s11, s14, $0xb8;
	[tilespmem:$0x1C000] =	vst v63  }
0x27: {  	s22 =	simm.s32 $0x100  }
0x28: {  	[tilespmem:s19], [sflag:$0x3] =	stream.indirect.gather [hbm4b:s1+s14], $0x40, s22, s14, $0xb8;
	[tilespmem:$0x1C000] =	vst v63  }
0x29: {  	_ =	swait.ge [sflag:s20], $0x2000  }
0x2a: {  	[sflag:s20] =	ssyncset.done $0x0  }
0x2b: {  	s28 =	simm.s32 $0x5080;
	[sflag:s20] =	ssyncadd.s32 $0xFFFFE000  }
0x2c: {  	[spmem:s3] =	stream.indirect.scatter.add.f32 [tilespmem:s16], [sflag:$0x6], $0x40, s28, s14, $0xb8;
	[tilespmem:$0x1C000] =	vst v63  }
0x2d: {  	s25 =	simm.s32 $0x180  }
0x2e: {  	[tilespmem:s23], [sflag:$0x4] =	stream.indirect.gather [hbm4b:s1+s14], $0x40, s25, s14, $0xb8;
	[tilespmem:$0x1C000] =	vst v63  }
0x2f: {  	_ =	swait.ge [sflag:s24], $0x2000  }
0x30: {  	[sflag:s24] =	ssyncset.done $0x0  }
0x31: {  	s28 =	simm.s32 $0x5100;
	[sflag:s24] =	ssyncadd.s32 $0xFFFFE000  }
0x32: {  	[spmem:s3] =	stream.indirect.scatter.add.f32 [tilespmem:s19], [sflag:$0x7], $0x40, s28, s14, $0xb8;
	[tilespmem:$0x1C000] =	vst v63  }
0x33: {  	_ =	swait.ge [sflag:s26], $0x2000  }
0x34: {  	[sflag:s26] =	ssyncset.done $0x0  }
0x35: {  	s25 =	simm.s32 $0x200;
	[sflag:s26] =	ssyncadd.s32 $0xFFFFE000  }
0x36: {  	[tilespmem:s15], [sflag:$0x1] =	stream.indirect.gather [hbm4b:s1+s14], $0x40, s25, s14, $0xb8;
	[tilespmem:$0x1C000] =	vst v63  }
0x37: {  	_ =	swait.ge [sflag:s29], $0x2000  }
0x38: {  	[sflag:s29] =	ssyncset.done $0x0  }
0x39: {  	s28 =	simm.s32 $0x5180;
	[sflag:s29] =	ssyncadd.s32 $0xFFFFE000  }
0x3a: {  	[spmem:s3] =	stream.indirect.scatter.add.f32 [tilespmem:s23], [sflag:$0x8], $0x40, s28, s14, $0xb8;
	[tilespmem:$0x1C000] =	vst v63  }
0x3b: {  	_ =	swait.ge [sflag:s31], $0x2000  }
0x3c: {  	[sflag:s31] =	ssyncset.done $0x0  }
0x3d: {  	s25 =	simm.s32 $0x280;
	[sflag:s31] =	ssyncadd.s32 $0xFFFFE000  }
0x3e: {  	[tilespmem:s16], [sflag:$0x2] =	stream.indirect.gather [hbm4b:s1+s14], $0x40, s25, s14, $0xb8;
	[tilespmem:$0x1C000] =	vst v63  }
0x3f: {  	_ =	swait.ge [sflag:s17], $0x2000  }
0x40: {  	[sflag:s17] =	ssyncset.done $0x0  }
0x41: {  	s28 =	simm.s32 $0x5200;
	[sflag:s17] =	ssyncadd.s32 $0xFFFFE000  }
0x42: {  	[spmem:s3] =	stream.indirect.scatter.add.f32 [tilespmem:s15], [sflag:$0x5], $0x40, s28, s14, $0xb8;
	[tilespmem:$0x1C000] =	vst v63  }
0x43: {  	_ =	swait.ge [sflag:s0], $0x2000  }
0x44: {  	[sflag:s0] =	ssyncset.done $0x0  }
0x45: {  	s25 =	simm.s32 $0x300;
	[sflag:s0] =	ssyncadd.s32 $0xFFFFE000  }
0x46: {  	[tilespmem:s19], [sflag:$0x3] =	stream.indirect.gather [hbm4b:s1+s14], $0x40, s25, s14, $0xb8;
	[tilespmem:$0x1C000] =	vst v63  }
0x47: {  	_ =	swait.ge [sflag:s20], $0x2000  }
0x48: {  	[sflag:s20] =	ssyncset.done $0x0  }
0x49: {  	s28 =	simm.s32 $0x5280;
	[sflag:s20] =	ssyncadd.s32 $0xFFFFE000  }
0x4a: {  	[spmem:s3] =	stream.indirect.scatter.add.f32 [tilespmem:s16], [sflag:$0x6], $0x40, s28, s14, $0xb8;
	[tilespmem:$0x1C000] =	vst v63  }
0x4b: {  	_ =	swait.ge [sflag:s18], $0x2000  }
0x4c: {  	[sflag:s18] =	ssyncset.done $0x0  }
0x4d: {  	s25 =	simm.s32 $0x380;
	[sflag:s18] =	ssyncadd.s32 $0xFFFFE000  }
0x4e: {  	[tilespmem:s23], [sflag:$0x4] =	stream.indirect.gather [hbm4b:s1+s14], $0x40, s25, s14, $0xb8;
	[tilespmem:$0x1C000] =	vst v63  }
0x4f: {  	_ =	swait.ge [sflag:s24], $0x2000  }
0x50: {  	[sflag:s24] =	ssyncset.done $0x0  }
0x51: {  	s28 =	simm.s32 $0x5300;
	[sflag:s24] =	ssyncadd.s32 $0xFFFFE000  }
0x52: {  	[spmem:s3] =	stream.indirect.scatter.add.f32 [tilespmem:s19], [sflag:$0x7], $0x40, s28, s14, $0xb8;
	[tilespmem:$0x1C000] =	vst v63  }
0x53: {  	_ =	swait.ge [sflag:s26], $0x2000  }
0x54: {  	[sflag:s26] =	ssyncset.done $0x0  }
0x55: {  	s25 =	simm.s32 $0x400;
	[sflag:s26] =	ssyncadd.s32 $0xFFFFE000  }
0x56: {  	[tilespmem:s15], [sflag:$0x1] =	stream.indirect.gather [hbm4b:s1+s14], $0x40, s25, s14, $0xb8;
	[tilespmem:$0x1C000] =	vst v63  }
0x57: {  	_ =	swait.ge [sflag:s29], $0x2000  }
0x58: {  	[sflag:s29] =	ssyncset.done $0x0  }
0x59: {  	s28 =	simm.s32 $0x5380;
	[sflag:s29] =	ssyncadd.s32 $0xFFFFE000  }
0x5a: {  	[spmem:s3] =	stream.indirect.scatter.add.f32 [tilespmem:s23], [sflag:$0x8], $0x40, s28, s14, $0xb8;
	[tilespmem:$0x1C000] =	vst v63  }
0x5b: {  	_ =	swait.ge [sflag:s31], $0x2000  }
0x5c: {  	[sflag:s31] =	ssyncset.done $0x0  }
0x5d: {  	s22 =	simm.s32 $0x800;
	s25 =	simm.s32 $0x480;
	[sflag:s31] =	ssyncadd.s32 $0xFFFFE000  }
.LBB2_2:
0x5e: {  	[tilespmem:s16], [sflag:$0x2] =	stream.indirect.gather [hbm4b:s1+s14], $0x40, s25, s14, $0xb8;
	[tilespmem:$0x1C000] =	vst v63  }
0x5f: {  	s25 =	smov.u32 s22  }
0x60: {  	p0 =	sne.s32 s22, $0x12800;
	s22 =	sadd.s32 $0x800, s22;
	_ =	swait.ge [sflag:s17], $0x2000  }
0x61: {  	s25 =	sshra.s32 s25, $0x2;
	[sflag:s17] =	ssyncset.done $0x0  }
0x62: {  	s28 =	sadd.s32 $0x5200, s25;
	[sflag:s17] =	ssyncadd.s32 $0xFFFFE000  }
0x63: {  	[spmem:s3] =	stream.indirect.scatter.add.f32 [tilespmem:s15], [sflag:$0x5], $0x40, s28, s14, $0xb8;
	[tilespmem:$0x1C000] =	vst v63  }
0x64: {  	_ =	swait.ge [sflag:s0], $0x2000  }
0x65: {  	[sflag:s0] =	ssyncset.done $0x0  }
0x66: {  	s28 =	sadd.s32 $0x300, s25;
	[sflag:s0] =	ssyncadd.s32 $0xFFFFE000  }
0x67: {  	[tilespmem:s19], [sflag:$0x3] =	stream.indirect.gather [hbm4b:s1+s14], $0x40, s28, s14, $0xb8;
	[tilespmem:$0x1C000] =	vst v63  }
0x68: {  	_ =	swait.ge [sflag:s20], $0x2000  }
0x69: {  	[sflag:s20] =	ssyncset.done $0x0  }
0x6a: {  	s28 =	sadd.s32 $0x5280, s25;
	[sflag:s20] =	ssyncadd.s32 $0xFFFFE000  }
0x6b: {  	[spmem:s3] =	stream.indirect.scatter.add.f32 [tilespmem:s16], [sflag:$0x6], $0x40, s28, s14, $0xb8;
	[tilespmem:$0x1C000] =	vst v63  }
0x6c: {  	_ =	swait.ge [sflag:s18], $0x2000  }
0x6d: {  	[sflag:s18] =	ssyncset.done $0x0  }
0x6e: {  	s28 =	sadd.s32 $0x380, s25;
	[sflag:s18] =	ssyncadd.s32 $0xFFFFE000  }
0x6f: {  	[tilespmem:s23], [sflag:$0x4] =	stream.indirect.gather [hbm4b:s1+s14], $0x40, s28, s14, $0xb8;
	[tilespmem:$0x1C000] =	vst v63  }
0x70: {  	_ =	swait.ge [sflag:s24], $0x2000  }
0x71: {  	[sflag:s24] =	ssyncset.done $0x0  }
0x72: {  	s28 =	sadd.s32 $0x5300, s25;
	[sflag:s24] =	ssyncadd.s32 $0xFFFFE000  }
0x73: {  	[spmem:s3] =	stream.indirect.scatter.add.f32 [tilespmem:s19], [sflag:$0x7], $0x40, s28, s14, $0xb8;
	[tilespmem:$0x1C000] =	vst v63  }
0x74: {  	_ =	swait.ge [sflag:s26], $0x2000  }
0x75: {  	[sflag:s26] =	ssyncset.done $0x0  }
0x76: {  	s28 =	sadd.s32 $0x400, s25;
	[sflag:s26] =	ssyncadd.s32 $0xFFFFE000  }
0x77: {  	[tilespmem:s15], [sflag:$0x1] =	stream.indirect.gather [hbm4b:s1+s14], $0x40, s28, s14, $0xb8;
	[tilespmem:$0x1C000] =	vst v63  }
0x78: {  	_ =	swait.ge [sflag:s29], $0x2000  }
0x79: {  	[sflag:s29] =	ssyncset.done $0x0  }
.Ltmp0:
0x7a: {  	s28 =	sadd.s32 $0x5380, s25;
	[sflag:s29] =	ssyncadd.s32 $0xFFFFE000;
	(pc) =	sbr.rel @p0 .LBB2_2-.Ltmp0, $4  }
0x7b: {  	[spmem:s3] =	stream.indirect.scatter.add.f32 [tilespmem:s23], [sflag:$0x8], $0x40, s28, s14, $0xb8;
	[tilespmem:$0x1C000] =	vst v63  }
0x7c: {  	_ =	swait.ge [sflag:s31], $0x2000  }
0x7d: {  	[sflag:s31] =	ssyncset.done $0x0  }
0x7e: {  	s25 =	sadd.s32 $0x480, s25;
	[sflag:s31] =	ssyncadd.s32 $0xFFFFE000  }
0x7f: {  	[tilespmem:s16], [sflag:$0x2] =	stream.indirect.gather [hbm4b:s1+s14], $0x40, s25, s14, $0xb8;
	[tilespmem:$0x1C000] =	vst v63  }
0x80: {  	_ =	swait.ge [sflag:s17], $0x2000  }
0x81: {  	[sflag:s17] =	ssyncset.done $0x0  }
0x82: {  	s22 =	simm.s32 $0x9E00;
	[sflag:s17] =	ssyncadd.s32 $0xFFFFE000  }
0x83: {  	[spmem:s3] =	stream.indirect.scatter.add.f32 [tilespmem:s15], [sflag:$0x5], $0x40, s22, s14, $0xb8;
	[tilespmem:$0x1C000] =	vst v63  }
0x84: {  	_ =	swait.ge [sflag:s0], $0x2000  }
0x85: {  	[sflag:s0] =	ssyncset.done $0x0  }
0x86: {  	s28 =	simm.s32 $0x4F00;
	[sflag:s0] =	ssyncadd.s32 $0xFFFFE000  }
0x87: {  	[tilespmem:s19], [sflag:$0x3] =	stream.indirect.gather [hbm4b:s1+s14], $0x40, s28, s14, $0xb8;
	[tilespmem:$0x1C000] =	vst v63  }
0x88: {  	_ =	swait.ge [sflag:s20], $0x2000  }
0x89: {  	[sflag:s20] =	ssyncset.done $0x0  }
0x8a: {  	s25 =	simm.s32 $0x9E80;
	[sflag:s20] =	ssyncadd.s32 $0xFFFFE000  }
0x8b: {  	[spmem:s3] =	stream.indirect.scatter.add.f32 [tilespmem:s16], [sflag:$0x6], $0x40, s25, s14, $0xb8;
	[tilespmem:$0x1C000] =	vst v63  }
0x8c: {  	_ =	swait.ge [sflag:s18], $0x2000  }
0x8d: {  	[sflag:s18] =	ssyncset.done $0x0  }
0x8e: {  	s28 =	simm.s32 $0x4F80;
	[sflag:s18] =	ssyncadd.s32 $0xFFFFE000  }
0x8f: {  	[tilespmem:s23], [sflag:$0x4] =	stream.indirect.gather [hbm4b:s1+s14], $0x40, s28, s14, $0xb8;
	[tilespmem:$0x1C000] =	vst v63  }
0x90: {  	_ =	swait.ge [sflag:s24], $0x2000  }
0x91: {  	[sflag:s24] =	ssyncset.done $0x0  }
0x92: {  	[sflag:s24] =	ssyncadd.s32 $0xFFFFE000  }
0x93: {  	[spmem:s3] =	stream.indirect.scatter.add.f32 [tilespmem:s19], [sflag:$0x7], $0x40, s30, s14, $0xb8;
	[tilespmem:$0x1C000] =	vst v63  }
0x94: {  	_ =	swait.ge [sflag:s26], $0x2000  }
0x95: {  	[sflag:s26] =	ssyncset.done $0x0  }
0x96: {  	[sflag:s26] =	ssyncadd.s32 $0xFFFFE000  }
0x97: {  	_ =	swait.ge [sflag:s29], $0x2000  }
0x98: {  	[sflag:s29] =	ssyncset.done $0x0  }
0x99: {  	[sflag:s29] =	ssyncadd.s32 $0xFFFFE000  }
0x9a: {  	[spmem:s3] =	stream.indirect.scatter.add.f32 [tilespmem:s23], [sflag:$0x8], $0x40, s2, s14, $0xb8;
	[tilespmem:$0x1C000] =	vst v63  }
0x9b: {  	_ =	swait.ge [sflag:s31], $0x2000  }
0x9c: {  	[sflag:s31] =	ssyncset.done $0x0  }
0x9d: {  	[sflag:s31] =	ssyncadd.s32 $0xFFFFE000  }
0x9e: {  	_ =	swait.ge [sflag:s0], $0x2000  }
0x9f: {  	[sflag:s0] =	ssyncset.done $0x0  }
0xa0: {  	[sflag:s0] =	ssyncadd.s32 $0xFFFFE000  }
0xa1: {  	_ =	swait.ge [sflag:s18], $0x2000  }
0xa2: {  	s21 =	sadd.s32 $0x1, s21;
	[sflag:s18] =	ssyncset.done $0x0  }
0xa3: {  	p0 =	sne.s32 s21, s9;
	[sflag:s18] =	ssyncadd.s32 $0xFFFFE000  }
.Ltmp1:
0xa4: {  	[bflag:$0x0] =	sbarrier.arrive $0xFFFF;
	(pc) =	sbr.rel @p0 .LBB2_1-.Ltmp1, $4  }
0xa5: {  	[hbm:s8], [sflag:s12] =	dma.local [spmem:s13], $0x1400  }
0xa6: {  	_ =	swait.ge [sflag:s10], $0x1400  }
0xa7: {  	[sflag:s10] =	ssyncset.done $0x0  }
0xa8: {  	[sflag:s10] =	ssyncadd.s32 $0xFFFFEC00  }
0xa9: {  	_ =	sfence.sel $0x180000  }
0xaa: {  	[bflag:$0x0] =	sbarrier.arrive $0xFFFF  }
0xab: {  	_ =	strace $0x9000004D  }
0xac: {  	s0 =	stileid.u32;
	[bflag:$0x2] =	sbarrier.arrive $0xFFFF  }
0xad: {  	p0 =	sne.s32 s0, $0x0;
	s0 =	rddreg [dreg:$0x3]  }
0xae: {  	s0 =	sadd.s32 @!p0 $0x100000, s0  }
0xaf: {  	[sflag:s0] =	ssyncadd.tile.s32 @!p0 $0x1;
	_ =	shalt  }
.Lfunc_end2:
_tile_overlayer_lowered:
.L_overlay_start_2:
0xb0: {  	(tag) =	ssettag $0x2  }
0xb1: {  	s0 =	rddreg [dreg:$0x0];
	s2 =	stileid.u32  }
0xb2: {  	s1 =	rddreg [dreg:$0x1];
	p0 =	sne.s32 s2, $0x0  }
0xb3: {  	s3 =	rddreg [dreg:$0x2];
	[bflag:$0x3] =	sbarrier.arrive $0xFFFF;
	s2 =	simm.s32 @!p0 $0x1C09  }
0xb4: {  	[timem:s3], [sflag:s2] =	dma.local @!p0 [hbm:s0], s1  }
0xb5: {  	s0 =	simm.s32 @!p0 $0x9  }
0xb6: {  	_ =	swait.ge @!p0 [sflag:s0], s1  }
0xb7: {  	s1 =	ssub.s32 @!p0 $0x0, s1;
	[sflag:s0] =	ssyncset.done @!p0 $0x0  }
0xb8: {  	[sflag:s0] =	ssyncadd.s32 @!p0 s1  }
0xb9: {  	[bflag:$0x3] =	sbarrier.arrive $0xFFFF  }
0xba: {  	_ =	shalt  }

// kernel: kernel.8.cloned.1.call-start
scs
__scs_entry_jumppad:
0x0: {  	(pc) =	sbr.rel $0x88, $3  }
0x1: {  	(tag) =	ssettag $0x0;
	lr =	simm.s32 $0x1  }
0x2: {  	[smem:$0x3F9B] =	sst lr;
	_ =	strace $0xD0000000  }
0x3: {  	_ = 	snop  }
0x4: {  	_ = 	snop  }
0x5: {  	_ = 	snop  }
0x6: {  	_ = 	snop  }
0x7: {  	_ = 	snop  }
__scs_overlays_trampoline_lowered:
0x8: {  	[smem:$0x3FAA] =	sst s0  }
0x9: {  	[smem:$0x3FAB] =	sst s1  }
0xa: {  	[smem:$0x3FAC] =	sst s2  }
0xb: {  	[smem:$0x3FAD] =	sst s3  }
0xc: {  	[smem:$0x3FAE] =	sst s4  }
0xd: {  	[smem:$0x3FAF] =	sst s5  }
0xe: {  	[smem:$0x3FB0] =	sst s6  }
0xf: {  	[smem:$0x3FB1] =	sst s7  }
0x10: {  	[smem:$0x3FB2] =	sst s8  }
0x11: {  	[smem:$0x3FB3] =	sst s9;
	s0 =	simm.s32 @!p0 $0x0  }
0x12: {  	s1 =	sld [smem:$0x3F99];
	s0 =	simm.s32 @p0 $0x1  }
0x13: {  	[smem:$0x3FB4] =	sst s0;
	s0 =	simm.s32 @!p1 $0x0  }
0x14: {  	s2 =	sld [smem:$0x3F98];
	s0 =	simm.s32 @p1 $0x1  }
0x15: {  	[smem:$0x3FB5] =	sst s0;
	s0 =	simm.s32 @!p2 $0x0  }
0x16: {  	s3 =	sld [smem:$0x3FDB];
	s0 =	simm.s32 @p2 $0x1  }
0x17: {  	s4 =	simm.s32 $0x1BF5;
	[smem:$0x3FB7] =	sst s0  }
0x18: {  	s0 =	sld [smem:$0x3F9A];
	_ =	swait.ge [sflag:s4], $0x0  }
0x19: {  	s7 =	sld [smem:$0x3F9B]  }
0x1a: {  	s8 =	sadd.s32 $0xFFFFE003, lr  }
0x1b: {  	s9 =	sadd.s32 $0xFFFFFEF7, lr;
	s5 =	simm.s32 $0xFFFFFFFF;
	p2 =	slt.u32 s8, $0xFFFFF086  }
0x1c: {  	p1 =	slt.u32 s9, $0xF7A;
	s5 =	simm.s32 @!p2 $0x0  }
0x1d: {  	s5 =	simm.s32 @p1 $0x1;
	p0 =	seq.s32 s7, s2  }
0x1e: {  	s7 =	smul.u32 @!p0 $0xF7A, s2;
	p2 =	seq.s32 @!p0 s5, $0x0  }
0x1f: {  	s9 =	smul.u32 $0xF7A, s1;
	s8 =	simm.s32 @!p0 $0x1BF5;
	p2 =	por !p2, p0  }
0x20: {  	[sflag:s8] =	ssyncset.s32 @!p0 $0xFFFFF086;
	s6 =	sadd.s32 @!p0 s3, s7;
	s7 =	simm.s32 @!p0 $0x108  }
0x21: {  	s3 =	sadd.s32 s3, s9;
	s6 =	sadd.s32 @!p0 $0x88, s6;
	s7 =	simm.s32 @p2 $0x1082  }
0x22: {  	[simem:s7], [sflag:s8] =	dma.local @!p0 [hbm:s6], $0xF7A  }
0x23: {  	s9 =	sor.u32 $0xD0000000, s2;
	s6 =	simm.s32 $0x108;
	_ =	swait.ge @!p0 [sflag:s8], $0x0  }
0x24: {  	s3 =	sadd.s32 $0x88, s3;
	s6 =	simm.s32 @!p1 $0x1082;
	[sflag:s4] =	ssyncset.s32 $0xFFFFF086  }
0x25: {  	[simem:s6], [sflag:s4] =	dma.local [hbm:s3], $0xF7A  }
0x26: {  	[smem:$0x3F9B] =	sst s1;
	(tag) =	ssettag s2;
	_ =	strace s9  }
0x27: {  	s1 =	sld [smem:$0x3FAB]  }
0x28: {  	s2 =	sld [smem:$0x3FAC]  }
0x29: {  	s4 =	sld [smem:$0x3FAE]  }
0x2a: {  	p0 =	seq.s32 s5, $0x0;
	s5 =	sld [smem:$0x3FAF]  }
0x2b: {  	s6 =	sld [smem:$0x3FB0]  }
0x2c: {  	s7 =	sld [smem:$0x3FB1]  }
0x2d: {  	s3 =	simm.s32 $0x108;
	s8 =	sld [smem:$0x3FB2]  }
0x2e: {  	s3 =	simm.s32 @!p0 $0x1082;
	s9 =	sld [smem:$0x3FB3]  }
0x2f: {  	lr =	sadd.s32 s0, s3;
	s0 =	sld [smem:$0x3FAA]  }
0x30: {  	s3 =	sld [smem:$0x3FAD]  }
0x31: {  	[smem:$0x3FB6] =	sst s10  }
0x32: {  	s10 =	sld [smem:$0x3FB4];
	_ =	sdelay $0x3  }
0x33: {  	p0 =	seq.s32 s10, $0x1;
	s10 =	sld [smem:$0x3FB6];
	_ =	sdelay $0x3  }
0x34: {  	[smem:$0x3FB6] =	sst s10  }
0x35: {  	s10 =	sld [smem:$0x3FB5];
	_ =	sdelay $0x3  }
0x36: {  	p1 =	seq.s32 s10, $0x1;
	s10 =	sld [smem:$0x3FB6];
	_ =	sdelay $0x3  }
0x37: {  	[smem:$0x3FB6] =	sst s10  }
0x38: {  	s10 =	sld [smem:$0x3FB7]  }
0x39: {  	_ = 	snop;
	(pc) =	sbr.ind lr, $3  }
0x3a: {  	_ = 	snop  }
0x3b: {  	_ = 	snop  }
0x3c: {  	p2 =	seq.s32 s10, $0x1;
	s10 =	sld [smem:$0x3FB6]  }
0x3d: {  	_ =	shalt  }
0x3e: {  	_ =	shalt  }
0x3f: {  	_ =	shalt  }
0x40: {  	_ =	shalt  }
0x41: {  	_ =	shalt  }
0x42: {  	_ =	shalt  }
0x43: {  	_ =	shalt  }
0x44: {  	_ =	shalt  }
0x45: {  	_ =	shalt  }
0x46: {  	_ =	shalt  }
0x47: {  	_ =	shalt  }
0x48: {  	_ =	shalt  }
0x49: {  	_ =	shalt  }
0x4a: {  	_ =	shalt  }
0x4b: {  	_ =	shalt  }
0x4c: {  	_ =	shalt  }
0x4d: {  	_ =	shalt  }
0x4e: {  	_ =	shalt  }
0x4f: {  	_ =	shalt  }
0x50: {  	_ =	shalt  }
0x51: {  	_ =	shalt  }
0x52: {  	_ =	shalt  }
0x53: {  	_ =	shalt  }
0x54: {  	_ =	shalt  }
0x55: {  	_ =	shalt  }
0x56: {  	_ =	shalt  }
0x57: {  	_ =	shalt  }
0x58: {  	_ =	shalt  }
0x59: {  	_ =	shalt  }
0x5a: {  	_ =	shalt  }
0x5b: {  	_ =	shalt  }
0x5c: {  	_ =	shalt  }
0x5d: {  	_ =	shalt  }
0x5e: {  	_ =	shalt  }
0x5f: {  	_ =	shalt  }
0x60: {  	_ =	shalt  }
0x61: {  	_ =	shalt  }
0x62: {  	_ =	shalt  }
0x63: {  	_ =	shalt  }
0x64: {  	_ =	shalt  }
0x65: {  	_ =	shalt  }
0x66: {  	_ =	shalt  }
0x67: {  	_ =	shalt  }
0x68: {  	_ =	shalt  }
0x69: {  	_ =	shalt  }
0x6a: {  	_ =	shalt  }
0x6b: {  	_ =	shalt  }
0x6c: {  	_ =	shalt  }
0x6d: {  	_ =	shalt  }
0x6e: {  	_ =	shalt  }
0x6f: {  	_ =	shalt  }
0x70: {  	_ =	shalt  }
0x71: {  	_ =	shalt  }
0x72: {  	_ =	shalt  }
0x73: {  	_ =	shalt  }
0x74: {  	_ =	shalt  }
0x75: {  	_ =	shalt  }
0x76: {  	_ =	shalt  }
0x77: {  	_ =	shalt  }
0x78: {  	_ =	shalt  }
0x79: {  	_ =	shalt  }
0x7a: {  	_ =	shalt  }
0x7b: {  	_ =	shalt  }
0x7c: {  	_ =	shalt  }
0x7d: {  	_ =	shalt  }
0x7e: {  	_ =	shalt  }
0x7f: {  	_ =	shalt  }
0x80: {  	_ =	shalt  }
0x81: {  	_ =	shalt  }
0x82: {  	_ =	shalt  }
0x83: {  	_ =	shalt  }
0x84: {  	_ =	shalt  }
0x85: {  	_ =	shalt  }
0x86: {  	_ =	shalt  }
0x87: {  	_ =	shalt  }
.Lfunc_end0:
.L_simem_size_0:
called_computation_lowered:
.L_overlay_start_0:
0x88: {  	s2 =	sld [smem:$0x3FD9]  }
0x89: {  	s3 =	sld [smem:$0x3FFE];
	_ =	sdelay $0x1  }
0x8a: {  	s1 =	srdreg.scid  }
0x8b: {  	s0 =	sand.u32 $0x1, s1  }
0x8c: {  	s17 =	sshll.u32 s0, $0xA;
	s2 =	sadd.s32 s3, s2  }
0x8d: {  	s2 =	sadd.s32 s2, s17  }
0x8e: {  	[smem:$0x3FC2] =	sst s2  }
0x8f: {  	_ = 	snop  }
0x90: {  	s2 =	sld [smem:$0x3FD0];
	(tm) =	ssettm $0x1  }
0x91: {  	s18 =	sld [smem:$0x3FFB];
	_ =	sdelay $0x3  }
0x92: {  	_ =	strace s18  }
0x93: {  	s3 =	sld [smem:$0x3FFC];
	_ =	sdelay $0x3  }
0x94: {  	_ =	strace s3  }
0x95: {  	s3 =	sld [smem:$0x3FFD];
	_ =	sdelay $0x3  }
0x96: {  	_ =	strace s3  }
0x97: {  	_ =	strace $0x8FFFFFFF  }
0x98: {  	s19 =	sld [smem:$0x3FDB];
	_ =	sdelay $0x1  }
0x99: {  	s4 =	simm.s32 $_scs_section_size  }
0x9a: {  	s5 =	simm.s32 $_size__tile_overlayer_lowered;
	s6 =	simm.s32 $_tile_overlayer_lowered  }
0x9b: {  	s22 =	simm.s32 $0x1BFF;
	s21 =	sshll.u32 s6, $0x1;
	s3 =	sadd.s32 s4, s19  }
0x9c: {  	s7 =	simm.s32 $0x0;
	s20 =	sshll.u32 s5, $0x1;
	s5 =	sadd.s32 s21, s3  }
0x9d: {  	[timem:s7], [sflag:s22] =	dma.local [hbm:s5], s20  }
0x9e: {  	_ =	swait.ge [sflag:s22], s20  }
0x9f: {  	s4 =	ssub.s32 $0x0, s20;
	[sflag:s22] =	ssyncset.done $0x0  }
0xa0: {  	[sflag:s22] =	ssyncadd.s32 s4;
	_ =	sdelay $0x1  }
0xa1: {  	s23 =	simm.s32 $0x1B8B  }
0xa2: {  	_ =	swait.ge [sflag:s23], $0x1  }
0xa3: {  	[sflag:s23] =	ssyncset.done $0x0  }
0xa4: {  	s25 =	simm.s32 $0x1B8E;
	s24 =	sld [smem:$0x3FFE];
	[sflag:s23] =	ssyncadd.s32 $0xFFFFFFFF  }
0xa5: {  	s26 =	simm.s32 $execute0_lowered;
	[smem:$0x3FD2] =	sst s25  }
0xa6: {  	s5 =	sshll.u32 s26, $0x1;
	_ =	strace $0x80000046;
	[dreg:$0x1] =	wrdreg $0xFFFFFFFF  }
0xa7: {  	s28 =	simm.s32 $_size_execute0_lowered;
	s3 =	sadd.s32 s3, s5;
	[dreg:$0x0] =	wrdreg $0x0  }
0xa8: {  	s5 =	sshll.u32 s28, $0x1;
	[dreg:$0x2] =	wrdreg s3  }
0xa9: {  	[dreg:$0x3] =	wrdreg s5  }
0xaa: {  	[dreg:$0x4] =	wrdreg $0xC0  }
0xab: {  	_ =	task [dreg:s7], $0x5FFFF  }
0xac: {  	[dreg:$0x1] =	wrdreg $0xFFFFFFFF  }
0xad: {  	[dreg:$0x0] =	wrdreg $0x60  }
0xae: {  	[dreg:$0x2] =	wrdreg s24  }
0xaf: {  	[dreg:$0x3] =	wrdreg s2  }
0xb0: {  	[dreg:$0x4] =	wrdreg $0x30000  }
0xb1: {  	[dreg:$0x5] =	wrdreg $0x9  }
0xb2: {  	_ =	task.clear_ibuf [dreg:s7], $0x6FFFF;
	_ =	strace $0x90000046  }
0xb3: {  	s29 =	simm.s32 $0x9;
	_ =	strace $0x80000048  }
0xb4: {  	_ =	swait.ge [sflag:s29], $0x1  }
0xb5: {  	[sflag:s29] =	ssyncadd.s32 $0xFFFFFFFF  }
0xb6: {  	_ =	strace $0x90000048  }
0xb7: {  	_ =	sfence  }
0xb8: {  	s30 =	sld [smem:$0x0];
	_ =	sdelay $0x2  }
0xb9: {  	s31 =	sshll.u32 s1, $0xD;
	s1 =	sshrl.u32 s1, $0x2  }
0xba: {  	s3 =	sand.u32 $0x4000, s31;
	s1 =	sadd.s32 s1, s30  }
0xbb: {  	s0 =	sor.u32 s3, s0;
	s1 =	sshll.u32 s1, $0x11  }
0xbc: {  	s0 =	sor.u32 s1, s0  }
0xbd: {  	s0 =	sadd.s32 $0x8F2B, s0  }
0xbe: {  	[sflag:s0] =	ssyncadd.remote.s32 $0x1  }
0xbf: {  	_ =	sfence.sel $0xFFFF  }
0xc0: {  	[dreg:$0x0] =	wrdreg $0xFFFFFFFF;
	(pc) =	sbr.abs _section_cstart, $3  }
0xc1: {  	[dreg:$0x1] =	wrdreg $0xFFFFFFFF  }
0xc2: {  	_ =	task.clear_ibuf [dreg:s7], $0x2FFFF;
	_ =	strace $0x9FFFFFFF  }
0xc3: {  	(tm) =	ssettm $0x7FFFFFFF  }
tec
execute0_lowered:
.L_overlay_start_1:
0x0: {  	(tag) =	ssettag $0x1  }
0x1: {  	s5 =	rddreg [dreg:$0x0];
	s1 =	srdreg.scid  }
0x2: {  	s0 =	stileid.u32;
	s7 =	rddreg [dreg:$0x1]  }
0x3: {  	s2 =	rddreg [dreg:$0x2];
	s3 =	simm.s32 $0x0;
	s13 =	simm.s32 $0x80  }
0x4: {  	s14 =	simm.s32 $0x0;
	s4 =	sand.u32 $0x1, s1;
	s1 =	rddreg [dreg:$0x3]  }
0x5: {  	s29 =	sshll.u32 s0, $0x1;
	[smem:$0x7FF] =	sst s3;
	s8 =	smul.u32 $0x2800, s0  }
0x6: {  	s31 =	sshll.u32 s0, $0x6;
	s6 =	sor.u32 s4, s29;
	_ =	strace $0x80000047  }
0x7: {  	s9 =	ssub.s32 $0x2, s4;
	s10 =	smul.u32 $0x28000, s4;
	s4 =	sadd.s32 $0xB400, s5  }
0x8: {  	s6 =	smul.u32 $0x500, s6;
	s11 =	sshrl.u32 s9, $0x1;
	s12 =	sadd.s32 s8, s2  }
0x9: {  	s9 =	ssub.s32 s9, s11;
	s10 =	sadd.s32 s8, s10;
	s11 =	sor.u32 $0x1C01, s31  }
0xa: {  	s12 =	sshrl.u32 s12, $0x3;
	s6 =	sadd.s32 s6, s5;
	s5 =	sadd.s32 $0xB600, s5  }
0xb: {  	s30 =	sshrl.u32 s10, $0x3;
	s8 =	smax.u32 s9, $0x1;
	s9 =	simm.s32 $0x1  }
0xc: {  	s10 =	simm.s32 $0x2800;
	s6 =	sadd.s32 $0x1400, s6;
	s7 =	sadd.s32 s7, s30  }
.LBB2_1:
0xd: {  	[tilespmem:s3], [sflag:$0x1] =	stream.linear.gather [hbm4b:s6+s3], $0x2800, $0x38;
	[tilespmem:$0x5800] =	vst v63  }
0xe: {  	_ =	swait.ge [sflag:s9], $0x2800  }
0xf: {  	[sflag:s9] =	ssyncset.done $0x0  }
0x10: {  	[sflag:s9] =	ssyncadd.s32 $0xFFFFD800  }
0x11: {  	[tilespmem:s10], [sflag:$0x1] =	stream.linear.gather [hbm4b:s4+s3], $0x800, $0x38;
	[tilespmem:$0x5800] =	vst v63  }
0x12: {  	_ =	swait.ge [sflag:s9], $0x800  }
0x13: {  	[sflag:s9] =	ssyncset.done $0x0  }
0x14: {  	[sflag:s9] =	ssyncadd.s32 $0xFFFFF800  }
0x15: {  	[spmem:s12], [sflag:s11] =	dma.local [hbm:s5], $0x500  }
0x16: {  	_ =	swait.ge [sflag:s9], $0x500  }
0x17: {  	[sflag:s9] =	ssyncset.done $0x0  }
0x18: {  	[sflag:s9] =	ssyncadd.s32 $0xFFFFFB00  }
0x19: {  	s15 =	simm.s32 $0x0;
	[bflag:$0x0] =	sbarrier.arrive $0xFFFF  }
0x1a: {  	[spmem:s2] =	stream.indirect.scatter.add.f32 [tilespmem:s10], [sflag:$0x1], $0x10, s15, s13, $0xb8;
	[tilespmem:$0x5800] =	vst v63  }
0x1b: {  	_ =	swait.ge [sflag:s9], $0x800  }
0x1c: {  	s15 =	simm.s32 $0x200;
	[sflag:s9] =	ssyncset.done $0x0  }
.LBB2_2:
0x1d: {  	s16 =	sshra.s32 s15, $0x2;
	[sflag:s9] =	ssyncadd.s32 $0xFFFFF800;
	p0 =	sne.s32 s15, $0x9E00  }
0x1e: {  	[spmem:s2] =	stream.indirect.scatter.add.f32 [tilespmem:s10], [sflag:$0x1], $0x10, s16, s13, $0xb8;
	[tilespmem:$0x5800] =	vst v63  }
.Ltmp0:
0x1f: {  	_ = 	snop;
	(pc) =	sbr.rel @p0 .LBB2_2-.Ltmp0, $4  }
0x20: {  	_ = 	snop  }
0x21: {  	s15 =	sadd.s32 $0x200, s15  }
0x22: {  	_ =	swait.ge [sflag:s9], $0x800  }
0x23: {  	[sflag:s9] =	ssyncset.done $0x0  }
0x24: {  	s14 =	sadd.s32 $0x1, s14  }
0x25: {  	[sflag:s9] =	ssyncadd.s32 $0xFFFFF800;
	p0 =	sne.s32 s14, s8  }
.Ltmp1:
0x26: {  	[bflag:$0x0] =	sbarrier.arrive $0xFFFF;
	(pc) =	sbr.rel @p0 .LBB2_1-.Ltmp1, $4  }
0x27: {  	[hbm:s7], [sflag:s11] =	dma.local [spmem:s12], $0x500  }
0x28: {  	_ =	swait.ge [sflag:s9], $0x500  }
0x29: {  	[sflag:s9] =	ssyncset.done $0x0  }
0x2a: {  	[sflag:s9] =	ssyncadd.s32 $0xFFFFFB00  }
0x2b: {  	_ =	sfence.sel $0x180000  }
0x2c: {  	[bflag:$0x0] =	sbarrier.arrive $0xFFFF  }
0x2d: {  	p0 =	sne.s32 s0, $0x0;
	_ =	strace $0x90000047  }
0x2e: {  	s0 =	sadd.s32 @!p0 $0x100000, s1;
	[bflag:$0x2] =	sbarrier.arrive $0xFFFF  }
0x2f: {  	[sflag:s0] =	ssyncadd.tile.s32 @!p0 $0x1;
	_ =	shalt  }
.Lfunc_end2:
_tile_overlayer_lowered:
.L_overlay_start_2:
0x30: {  	(tag) =	ssettag $0x2  }
0x31: {  	s0 =	rddreg [dreg:$0x0];
	s2 =	stileid.u32  }
0x32: {  	s1 =	rddreg [dreg:$0x1];
	p0 =	sne.s32 s2, $0x0  }
0x33: {  	s3 =	rddreg [dreg:$0x2];
	[bflag:$0x3] =	sbarrier.arrive $0xFFFF;
	s2 =	simm.s32 @!p0 $0x1C01  }
0x34: {  	[timem:s3], [sflag:s2] =	dma.local @!p0 [hbm:s0], s1  }
0x35: {  	s0 =	simm.s32 @!p0 $0x1  }
0x36: {  	_ =	swait.ge @!p0 [sflag:s0], s1  }
0x37: {  	s1 =	ssub.s32 @!p0 $0x0, s1;
	[sflag:s0] =	ssyncset.done @!p0 $0x0  }
0x38: {  	[sflag:s0] =	ssyncadd.s32 @!p0 s1  }
0x39: {  	[bflag:$0x3] =	sbarrier.arrive $0xFFFF  }
0x3a: {  	_ =	shalt  }

</sc_bundles>
